<compile_context>
chip_gen: v7x
topology: tpu7x:2x2x1
jax: 0.10.2.dev20260603
libtpu: 0.0.44.dev20260713+nightly
codegen_flags: <defaults>
</compile_context>

<pallas_src>
import functools

import jax
import jax.numpy as jnp
from jax import lax
from jax.experimental import pallas as pl
from jax.experimental.pallas import tpu as pltpu
from jax.experimental.pallas import tpu_sc as plsc

N = 10000
E = 320000
D = 128
H = 64
G = 64
OUT = 1

NC = 2
NS = 16
NW = NC * NS
EPT = E // NW
NH = 10240
EPTP = 10240
CG = 16
CW = H // CG
N2 = 10016
TBP = CW * N2
EHR = E // 2
CHW = 8192
NCH = 20
EHP = NCH * CHW
VPC = CHW // 16

RB = 1000
NBK = N // RB

_f32 = jnp.float32


def _mesh():
    return plsc.VectorSubcoreMesh(core_axis_name="c", subcore_axis_name="s")


_SC_PARAMS = pltpu.CompilerParams(needs_layout_passes=False)


def _sc_degree(dst2, zn):

    @functools.partial(
        pl.kernel,
        out_type=jax.ShapeDtypeStruct((NW, NH), _f32),
        mesh=_mesh(),
        scratch_types=[
            pltpu.VMEM((NH,), _f32),
            pltpu.VMEM((EPTP,), jnp.int32),
        ],
        compiler_params=_SC_PARAMS,
    )
    def deg_kernel(dst_hbm, zn_hbm, out, hist, dv):
        cid = lax.axis_index("c")
        sid = lax.axis_index("s")
        wid = cid * NS + sid
        pltpu.sync_copy(dst_hbm.at[wid], dv)
        pltpu.sync_copy(zn_hbm, hist)
        ones16 = jnp.full((16,), 1.0, _f32)

        def step(i, c):
            for u in range(4):
                idx = dv[pl.ds((i * 4 + u) * 16, 16)]
                plsc.addupdate_scatter(hist, [idx], ones16)
            return c

        lax.fori_loop(0, EPTP // 64, step, 0)
        pltpu.sync_copy(hist, out.at[wid])

    return deg_kernel(dst2, zn)


def _sc_edge(gT, srcp, dstp, zer):

    @functools.partial(
        pl.kernel,
        out_type=jax.ShapeDtypeStruct((CG, 2, 1, TBP), _f32),
        mesh=_mesh(),
        scratch_types=[
            pltpu.VMEM((TBP,), _f32),
            pltpu.VMEM((TBP,), _f32),
            pltpu.VMEM((CHW,), jnp.int32),
            pltpu.VMEM((CHW,), jnp.int32),
            pltpu.VMEM((CHW,), jnp.int32),
            pltpu.VMEM((CHW,), jnp.int32),
            pltpu.SemaphoreType.DMA,
            pltpu.SemaphoreType.DMA,
            pltpu.SemaphoreType.DMA,
            pltpu.SemaphoreType.DMA,
        ],
        compiler_params=_SC_PARAMS,
    )
    def edge_kernel(g_hbm, as_hbm, ad_hbm, zer_hbm, out,
                    tab, acc, sb0, db0, sb1, db1, s0, s1, s2, s3):
        eh = lax.axis_index("c")
        cg = lax.axis_index("s")
        pltpu.sync_copy(g_hbm.at[cg, 0], tab)
        pltpu.sync_copy(zer_hbm, acc)

        def start(c, sb, db, sems):
            off = pl.multiple_of(c * CHW, 128)
            pltpu.async_copy(as_hbm.at[eh, 0, pl.ds(off, CHW)], sb, sems[0])
            pltpu.async_copy(ad_hbm.at[eh, 0, pl.ds(off, CHW)], db, sems[1])

        def wait(sb, db, sems):
            pltpu.make_async_copy(as_hbm.at[eh, 0, pl.ds(0, CHW)], sb,
                                  sems[0]).wait()
            pltpu.make_async_copy(ad_hbm.at[eh, 0, pl.ds(0, CHW)], db,
                                  sems[1]).wait()

        def compute(sb, db):
            def vec(i, c):
                gathered = []
                for u in range(4):
                    off = (i * 4 + u) * 16
                    s16 = sb[pl.ds(off, 16)]
                    d16 = db[pl.ds(off, 16)]
                    for k in range(CW):
                        sk = s16 + (k * N2) if k else s16
                        dk = d16 + (k * N2) if k else d16
                        gathered.append((dk, plsc.load_gather(tab, [sk])))
                for dk, v in gathered:
                    plsc.addupdate_scatter(acc, [dk], v)
                return c

            lax.fori_loop(0, VPC // 4, vec, 0)

        start(0, sb0, db0, (s0, s1))

        def outer(c2, c):
            c0 = c2 * 2
            wait(sb0, db0, (s0, s1))
            start(jnp.minimum(c0 + 1, NCH - 1), sb1, db1, (s2, s3))
            compute(sb0, db0)
            wait(sb1, db1, (s2, s3))
            start(jnp.minimum(c0 + 2, NCH - 1), sb0, db0, (s0, s1))
            compute(sb1, db1)
            return c

        lax.fori_loop(0, NCH // 2, outer, 0)
        wait(sb0, db0, (s0, s1))
        pltpu.sync_copy(acc, out.at[cg, eh, 0])

    return edge_kernel(gT, srcp, dstp, zer)


def _dinv_full(degs_ref):
    deg = jnp.sum(degs_ref[:], axis=1)[None, :] + 1.0
    return 1.0 / jnp.sqrt(deg)


def _tc_first(x, W1, degs):

    def body(x_ref, w_ref, d_ref, o_ref):
        dinv = _dinv_full(d_ref)
        g = lax.dot_general(w_ref[:], x_ref[:], (((0,), (1,)), ((), ())),
                            preferred_element_type=_f32)
        o_ref[:] = g * dinv

    return pl.pallas_call(
        body,
        out_shape=jax.ShapeDtypeStruct((H, N), _f32),
    )(x, W1, degs)


def _tc_mid(s0, s1, g1, degs, b1, W2):

    def body(s0_ref, s1_ref, g_ref, d_ref, b_ref, w_ref, o_ref):
        dinv = _dinv_full(d_ref)
        a = (s0_ref[:] + s1_ref[:] + g_ref[:]) * dinv + b_ref[:]
        a = jnp.maximum(a, 0.0)
        g2 = lax.dot_general(w_ref[:], a, (((0,), (0,)), ((), ())),
                             preferred_element_type=_f32)
        o_ref[:] = g2 * dinv

    return pl.pallas_call(
        body,
        out_shape=jax.ShapeDtypeStruct((H, N), _f32),
    )(s0, s1, g1, degs, b1, W2)


def _tc_last(s0, s1, g2, degs, b2, bt2, W3, b3):

    def body(s0_ref, s1_ref, g_ref, d_ref, b_ref, bt_ref, w3_ref, b3_ref,
             o_ref):
        dinv = _dinv_full(d_ref)
        h = (s0_ref[:] + s1_ref[:] + g_ref[:]) * dinv + b_ref[:]
        h = jnp.maximum(h, 0.0)
        seg = bt_ref[0, :]
        onehot = (seg[:, None] == lax.broadcasted_iota(jnp.int32, (1, G), 1)
                  ).astype(_f32)
        poolT = lax.dot_general(h, onehot, (((1,), (0,)), ((), ())),
                                preferred_element_type=_f32)
        o_ref[:] = (lax.dot_general(poolT, w3_ref[:],
                                    (((0,), (0,)), ((), ())),
                                    preferred_element_type=_f32)
                    + b3_ref[:])

    return pl.pallas_call(
        body,
        out_shape=jax.ShapeDtypeStruct((G, OUT), _f32),
    )(s0, s1, g2, degs, b2, bt2, W3, b3)


def _pack(gT):
    return jnp.pad(gT, ((0, 0), (0, N2 - N))).reshape(CG, 1, TBP)


def _unpack(sacc):
    sr = sacc[:, :, 0, :].reshape(CG, 2, CW, N2)
    s0 = sr[:, 0].reshape(H, N2)[:, :N]
    s1 = sr[:, 1].reshape(H, N2)[:, :N]
    return s0, s1


def kernel(x, edge_index, batch, W1, b1, W2, b2, W3, b3):
    src = edge_index[0]
    dst = edge_index[1]

    def _halves(idx):
        a = jnp.pad(idx.reshape(2, EHR), ((0, 0), (0, EHP - EHR)),
                    constant_values=N)
        return a.reshape(2, 1, EHP)

    srcp = _halves(src)
    dstp = _halves(dst)
    dst2 = jnp.pad(dst.reshape(NW, EPT), ((0, 0), (0, EPTP - EPT)),
                   constant_values=N)
    zn = jnp.zeros((NH,), _f32)
    zer = jnp.zeros((TBP,), _f32)
    bt2 = batch.reshape(1, N)
    b1c = b1.reshape(H, 1)
    b2c = b2.reshape(H, 1)
    b3r = b3.reshape(1, OUT)

    degs = _sc_degree(dst2, zn)[:, :N].T
    g1 = _tc_first(x, W1, degs)
    s10, s11 = _unpack(_sc_edge(_pack(g1), srcp, dstp, zer))
    g2 = _tc_mid(s10, s11, g1, degs, b1c, W2)
    s20, s21 = _unpack(_sc_edge(_pack(g2), srcp, dstp, zer))
    return _tc_last(s20, s21, g2, degs, b2c, bt2, W3, b3r)

# --- scband reference (transcript-rebuilt; emitter-appended) ---
"""Pipeline reference for scband-simple-gnn-efg-10557029614292 (READ-ONLY COPY).

The authoritative reference and input builder live on the scoring server;
editing this copy changes nothing except your own understanding.
"""

import jax, jax.numpy as jnp
import numpy as np

N = 10000
E = 320000
D = 128
H = 64
OUT = 1
G = 64


def setup_inputs(seed: int = 0) -> dict:
    key = jax.random.key(seed)
    ks = jax.random.split(key, 10)
    x = jax.random.normal(ks[0], (N, D), dtype=jnp.float32)
    edge_index = jax.random.randint(ks[1], (2, E), 0, N, dtype=jnp.int32)
    batch = jnp.sort(jax.random.randint(ks[2], (N,), 0, G, dtype=jnp.int32))
    W1 = jax.random.normal(ks[3], (D, H), dtype=jnp.float32) * (1.0 / np.sqrt(D))
    b1 = jnp.zeros((H,), dtype=jnp.float32)
    W2 = jax.random.normal(ks[4], (H, H), dtype=jnp.float32) * (1.0 / np.sqrt(H))
    b2 = jnp.zeros((H,), dtype=jnp.float32)
    W3 = jax.random.normal(ks[5], (H, OUT), dtype=jnp.float32) * (1.0 / np.sqrt(H))
    b3 = jnp.zeros((OUT,), dtype=jnp.float32)
    return {"x": x, "edge_index": edge_index, "batch": batch,
            "W1": W1, "b1": b1, "W2": W2, "b2": b2, "W3": W3, "b3": b3}


def _gcn_conv(x, edge_index, W, b):
    # PyG GCNConv: add self-loops, symmetric normalization D^-1/2 (A+I) D^-1/2 X W + b
    num_nodes = x.shape[0]
    src = edge_index[0]
    dst = edge_index[1]
    loop = jnp.arange(num_nodes, dtype=src.dtype)
    src2 = jnp.concatenate([src, loop])
    dst2 = jnp.concatenate([dst, loop])
    h = x @ W
    deg = jax.ops.segment_sum(jnp.ones_like(dst2, dtype=h.dtype), dst2, num_segments=num_nodes)
    dinv = jnp.where(deg > 0, 1.0 / jnp.sqrt(deg), 0.0)
    norm = dinv[src2] * dinv[dst2]
    msg = h[src2] * norm[:, None]
    out = jax.ops.segment_sum(msg, dst2, num_segments=num_nodes)
    return out + b


def reference(x, edge_index, batch, W1, b1, W2, b2, W3, b3):
    h = jax.nn.relu(_gcn_conv(x, edge_index, W1, b1))
    h = jax.nn.relu(_gcn_conv(h, edge_index, W2, b2))
    pooled = jax.ops.segment_sum(h, batch, num_segments=G)  # global_add_pool
    out = pooled @ W3 + b3  # lin_out; regression_target=True -> identity probs_out
    return out

if __name__ == "__main__":
    import jax
    _d = setup_inputs()
    print(jax.jit(kernel)(*tuple(_d.values())))

</pallas_src>

<mosaic_0001>
#map = affine_map<(d0, d1) -> (0, 0, 0)>
#map1 = affine_map<(d0, d1) -> (0)>
#map2 = affine_map<(d0, d1) -> (0, 0, 0, 0)>
module attributes {stable_mosaic.version = 14 : i64} {
  func.func @edge_kernel(%arg0: i32, %arg1: i32, %arg2: memref<16x1x40064xf32, #tpu.memory_space<hbm>>, %arg3: memref<2x1x163840xi32, #tpu.memory_space<hbm>>, %arg4: memref<2x1x163840xi32, #tpu.memory_space<hbm>>, %arg5: memref<40064xf32, #tpu.memory_space<hbm>>, %arg6: memref<16x2x1x40064xf32, #tpu.memory_space<hbm>>, %arg7: memref<40064xf32, #tpu.memory_space<vmem>>, %arg8: memref<40064xf32, #tpu.memory_space<vmem>>, %arg9: memref<8192xi32, #tpu.memory_space<vmem>>, %arg10: memref<8192xi32, #tpu.memory_space<vmem>>, %arg11: memref<8192xi32, #tpu.memory_space<vmem>>, %arg12: memref<8192xi32, #tpu.memory_space<vmem>>, %arg13: memref<!tpu.dma_semaphore, #tpu.memory_space<semaphore_mem>>, %arg14: memref<!tpu.dma_semaphore, #tpu.memory_space<semaphore_mem>>, %arg15: memref<!tpu.dma_semaphore, #tpu.memory_space<semaphore_mem>>, %arg16: memref<!tpu.dma_semaphore, #tpu.memory_space<semaphore_mem>>) attributes {dimension_semantics = [#tpu.dimension_semantics<core_parallel>, #tpu.dimension_semantics<subcore_parallel>], iteration_bounds = array<i64: 2, 16>, scalar_prefetch = 0 : i64, scratch_operands = 10 : i64, tpu.core_type = #tpu.core_type<sc_vector_subcore>, window_params = [{transform_indices = #map}, {transform_indices = #map}, {transform_indices = #map}, {transform_indices = #map1}, {transform_indices = #map2}]} {
    %run_scoped3A = arith.constant 0 : i32
    "tpu.region"() ({
      %run_scoped3A_29 = tpu.sem_alloc : memref<!tpu.dma_semaphore, #tpu.memory_space<semaphore_mem>>
      %dma_start3A_30 = arith.constant 0 : i32
      %dma_start3A_31 = tpu.memref_slice %arg2[%arg1, %run_scoped3A, %dma_start3A_30] : memref<16x1x40064xf32, #tpu.memory_space<hbm>> -> memref<1x1x40064xf32, #tpu.memory_space<hbm>>
      %dma_start3A_32 = tpu.memref_squeeze %dma_start3A_31 : memref<1x1x40064xf32, #tpu.memory_space<hbm>> -> memref<40064xf32, #tpu.memory_space<hbm>>
      %dma_start3A_33 = arith.constant 0 : i32
      %dma_start3A_34 = tpu.memref_slice %arg2[%arg1, %run_scoped3A, %dma_start3A_33] : memref<16x1x40064xf32, #tpu.memory_space<hbm>> -> memref<1x1x40064xf32, #tpu.memory_space<hbm>>
      %dma_start3A_35 = tpu.memref_squeeze %dma_start3A_34 : memref<1x1x40064xf32, #tpu.memory_space<hbm>> -> memref<40064xf32, #tpu.memory_space<hbm>>
      tpu.enqueue_dma source(%dma_start3A_35 : memref<40064xf32, #tpu.memory_space<hbm>>) target(%arg7 : memref<40064xf32, #tpu.memory_space<vmem>>) target_semaphore(%run_scoped3A_29 : memref<!tpu.dma_semaphore, #tpu.memory_space<semaphore_mem>>)
      %dma_wait3A_36 = arith.constant 0 : i32
      %dma_wait3A_37 = tpu.memref_slice %arg2[%arg1, %run_scoped3A, %dma_wait3A_36] : memref<16x1x40064xf32, #tpu.memory_space<hbm>> -> memref<1x1x40064xf32, #tpu.memory_space<hbm>>
      %dma_wait3A_38 = tpu.memref_squeeze %dma_wait3A_37 : memref<1x1x40064xf32, #tpu.memory_space<hbm>> -> memref<40064xf32, #tpu.memory_space<hbm>>
      %dma_wait3A_39 = arith.constant 0 : i32
      %dma_wait3A_40 = tpu.memref_slice %arg2[%arg1, %run_scoped3A, %dma_wait3A_39] : memref<16x1x40064xf32, #tpu.memory_space<hbm>> -> memref<1x1x40064xf32, #tpu.memory_space<hbm>>
      %dma_wait3A_41 = tpu.memref_squeeze %dma_wait3A_40 : memref<1x1x40064xf32, #tpu.memory_space<hbm>> -> memref<40064xf32, #tpu.memory_space<hbm>>
      tpu.wait_dma2 semaphore(%run_scoped3A_29 : memref<!tpu.dma_semaphore, #tpu.memory_space<semaphore_mem>>) src(%dma_wait3A_41 : memref<40064xf32, #tpu.memory_space<hbm>>) dst(%arg7 : memref<40064xf32, #tpu.memory_space<vmem>>)
      tpu.yield
    }) : () -> ()
    "tpu.region"() ({
      %run_scoped3A_29 = tpu.sem_alloc : memref<!tpu.dma_semaphore, #tpu.memory_space<semaphore_mem>>
      tpu.enqueue_dma source(%arg5 : memref<40064xf32, #tpu.memory_space<hbm>>) target(%arg8 : memref<40064xf32, #tpu.memory_space<vmem>>) target_semaphore(%run_scoped3A_29 : memref<!tpu.dma_semaphore, #tpu.memory_space<semaphore_mem>>)
      tpu.wait_dma2 semaphore(%run_scoped3A_29 : memref<!tpu.dma_semaphore, #tpu.memory_space<semaphore_mem>>) src(%arg5 : memref<40064xf32, #tpu.memory_space<hbm>>) dst(%arg8 : memref<40064xf32, #tpu.memory_space<vmem>>)
      tpu.yield
    }) : () -> ()
    %multiple_of3A = arith.constant 0 : i32
    %multiple_of3A_0 = tpu.assume_multiple %multiple_of3A, 128 : i32
    %dma_start3A = arith.constant 0 : i32
    %dma_start3A_1 = tpu.memref_slice %arg3[%arg0, %dma_start3A, %multiple_of3A_0] : memref<2x1x163840xi32, #tpu.memory_space<hbm>> -> memref<1x1x8192xi32, #tpu.memory_space<hbm>>
    %dma_start3A_2 = tpu.memref_squeeze %dma_start3A_1 : memref<1x1x8192xi32, #tpu.memory_space<hbm>> -> memref<8192xi32, #tpu.memory_space<hbm>>
    %dma_start3A_3 = tpu.memref_slice %arg3[%arg0, %dma_start3A, %multiple_of3A_0] : memref<2x1x163840xi32, #tpu.memory_space<hbm>> -> memref<1x1x8192xi32, #tpu.memory_space<hbm>>
    %dma_start3A_4 = tpu.memref_squeeze %dma_start3A_3 : memref<1x1x8192xi32, #tpu.memory_space<hbm>> -> memref<8192xi32, #tpu.memory_space<hbm>>
    tpu.enqueue_dma source(%dma_start3A_4 : memref<8192xi32, #tpu.memory_space<hbm>>) target(%arg9 : memref<8192xi32, #tpu.memory_space<vmem>>) target_semaphore(%arg13 : memref<!tpu.dma_semaphore, #tpu.memory_space<semaphore_mem>>)
    %dma_start3A_5 = arith.constant 0 : i32
    %dma_start3A_6 = tpu.memref_slice %arg4[%arg0, %dma_start3A_5, %multiple_of3A_0] : memref<2x1x163840xi32, #tpu.memory_space<hbm>> -> memref<1x1x8192xi32, #tpu.memory_space<hbm>>
    %dma_start3A_7 = tpu.memref_squeeze %dma_start3A_6 : memref<1x1x8192xi32, #tpu.memory_space<hbm>> -> memref<8192xi32, #tpu.memory_space<hbm>>
    %dma_start3A_8 = tpu.memref_slice %arg4[%arg0, %dma_start3A_5, %multiple_of3A_0] : memref<2x1x163840xi32, #tpu.memory_space<hbm>> -> memref<1x1x8192xi32, #tpu.memory_space<hbm>>
    %dma_start3A_9 = tpu.memref_squeeze %dma_start3A_8 : memref<1x1x8192xi32, #tpu.memory_space<hbm>> -> memref<8192xi32, #tpu.memory_space<hbm>>
    tpu.enqueue_dma source(%dma_start3A_9 : memref<8192xi32, #tpu.memory_space<hbm>>) target(%arg10 : memref<8192xi32, #tpu.memory_space<vmem>>) target_semaphore(%arg14 : memref<!tpu.dma_semaphore, #tpu.memory_space<semaphore_mem>>)
    %scan3A = arith.constant 0 : i32
    %scan3A_10 = arith.constant 0 : i32
    %scan3A_11 = arith.constant 10 : i32
    %scan3A_12 = arith.addi %scan3A_10, %scan3A_11 : i32
    %scan3A_13 = arith.constant 1 : i32
    scf.for %scan3A_29 = %scan3A_10 to %scan3A_12 step %scan3A_13  : i32 {
      %mul3A = arith.constant 2 : i32
      %mul3A_30 = arith.muli %scan3A_29, %mul3A : i32
      %dma_wait3A_31 = arith.constant 0 : i32
      %dma_wait3A_32 = arith.constant 0 : i32
      %dma_wait3A_33 = tpu.memref_slice %arg3[%arg0, %dma_wait3A_31, %dma_wait3A_32] : memref<2x1x163840xi32, #tpu.memory_space<hbm>> -> memref<1x1x8192xi32, #tpu.memory_space<hbm>>
      %dma_wait3A_34 = tpu.memref_squeeze %dma_wait3A_33 : memref<1x1x8192xi32, #tpu.memory_space<hbm>> -> memref<8192xi32, #tpu.memory_space<hbm>>
      %dma_wait3A_35 = arith.constant 0 : i32
      %dma_wait3A_36 = tpu.memref_slice %arg3[%arg0, %dma_wait3A_31, %dma_wait3A_35] : memref<2x1x163840xi32, #tpu.memory_space<hbm>> -> memref<1x1x8192xi32, #tpu.memory_space<hbm>>
      %dma_wait3A_37 = tpu.memref_squeeze %dma_wait3A_36 : memref<1x1x8192xi32, #tpu.memory_space<hbm>> -> memref<8192xi32, #tpu.memory_space<hbm>>
      tpu.wait_dma2 semaphore(%arg13 : memref<!tpu.dma_semaphore, #tpu.memory_space<semaphore_mem>>) src(%dma_wait3A_37 : memref<8192xi32, #tpu.memory_space<hbm>>) dst(%arg9 : memref<8192xi32, #tpu.memory_space<vmem>>)
      %dma_wait3A_38 = arith.constant 0 : i32
      %dma_wait3A_39 = arith.constant 0 : i32
      %dma_wait3A_40 = tpu.memref_slice %arg4[%arg0, %dma_wait3A_38, %dma_wait3A_39] : memref<2x1x163840xi32, #tpu.memory_space<hbm>> -> memref<1x1x8192xi32, #tpu.memory_space<hbm>>
      %dma_wait3A_41 = tpu.memref_squeeze %dma_wait3A_40 : memref<1x1x8192xi32, #tpu.memory_space<hbm>> -> memref<8192xi32, #tpu.memory_space<hbm>>
      %dma_wait3A_42 = arith.constant 0 : i32
      %dma_wait3A_43 = tpu.memref_slice %arg4[%arg0, %dma_wait3A_38, %dma_wait3A_42] : memref<2x1x163840xi32, #tpu.memory_space<hbm>> -> memref<1x1x8192xi32, #tpu.memory_space<hbm>>
      %dma_wait3A_44 = tpu.memref_squeeze %dma_wait3A_43 : memref<1x1x8192xi32, #tpu.memory_space<hbm>> -> memref<8192xi32, #tpu.memory_space<hbm>>
      tpu.wait_dma2 semaphore(%arg14 : memref<!tpu.dma_semaphore, #tpu.memory_space<semaphore_mem>>) src(%dma_wait3A_44 : memref<8192xi32, #tpu.memory_space<hbm>>) dst(%arg10 : memref<8192xi32, #tpu.memory_space<vmem>>)
      %add3A = arith.constant 1 : i32
      %add3A_45 = arith.addi %mul3A_30, %add3A : i32
      %min3A = arith.constant 19 : i32
      %min3A_46 = arith.minsi %add3A_45, %min3A : i32
      %mul3A_47 = arith.constant 8192 : i32
      %mul3A_48 = arith.muli %min3A_46, %mul3A_47 : i32
      %multiple_of3A_49 = tpu.assume_multiple %mul3A_48, 128 : i32
      %dma_start3A_50 = arith.constant 0 : i32
      %dma_start3A_51 = tpu.memref_slice %arg3[%arg0, %dma_start3A_50, %multiple_of3A_49] : memref<2x1x163840xi32, #tpu.memory_space<hbm>> -> memref<1x1x8192xi32, #tpu.memory_space<hbm>>
      %dma_start3A_52 = tpu.memref_squeeze %dma_start3A_51 : memref<1x1x8192xi32, #tpu.memory_space<hbm>> -> memref<8192xi32, #tpu.memory_space<hbm>>
      %dma_start3A_53 = tpu.memref_slice %arg3[%arg0, %dma_start3A_50, %multiple_of3A_49] : memref<2x1x163840xi32, #tpu.memory_space<hbm>> -> memref<1x1x8192xi32, #tpu.memory_space<hbm>>
      %dma_start3A_54 = tpu.memref_squeeze %dma_start3A_53 : memref<1x1x8192xi32, #tpu.memory_space<hbm>> -> memref<8192xi32, #tpu.memory_space<hbm>>
      tpu.enqueue_dma source(%dma_start3A_54 : memref<8192xi32, #tpu.memory_space<hbm>>) target(%arg11 : memref<8192xi32, #tpu.memory_space<vmem>>) target_semaphore(%arg15 : memref<!tpu.dma_semaphore, #tpu.memory_space<semaphore_mem>>)
      %dma_start3A_55 = arith.constant 0 : i32
      %dma_start3A_56 = tpu.memref_slice %arg4[%arg0, %dma_start3A_55, %multiple_of3A_49] : memref<2x1x163840xi32, #tpu.memory_space<hbm>> -> memref<1x1x8192xi32, #tpu.memory_space<hbm>>
      %dma_start3A_57 = tpu.memref_squeeze %dma_start3A_56 : memref<1x1x8192xi32, #tpu.memory_space<hbm>> -> memref<8192xi32, #tpu.memory_space<hbm>>
      %dma_start3A_58 = tpu.memref_slice %arg4[%arg0, %dma_start3A_55, %multiple_of3A_49] : memref<2x1x163840xi32, #tpu.memory_space<hbm>> -> memref<1x1x8192xi32, #tpu.memory_space<hbm>>
      %dma_start3A_59 = tpu.memref_squeeze %dma_start3A_58 : memref<1x1x8192xi32, #tpu.memory_space<hbm>> -> memref<8192xi32, #tpu.memory_space<hbm>>
      tpu.enqueue_dma source(%dma_start3A_59 : memref<8192xi32, #tpu.memory_space<hbm>>) target(%arg12 : memref<8192xi32, #tpu.memory_space<vmem>>) target_semaphore(%arg16 : memref<!tpu.dma_semaphore, #tpu.memory_space<semaphore_mem>>)
      %scan3A_60 = arith.constant 0 : i32
      %scan3A_61 = arith.constant 0 : i32
      %scan3A_62 = arith.constant 128 : i32
      %scan3A_63 = arith.addi %scan3A_61, %scan3A_62 : i32
      %scan3A_64 = arith.constant 1 : i32
      scf.for %scan3A_103 = %scan3A_61 to %scan3A_63 step %scan3A_64  : i32 {
        %mul3A_104 = arith.constant 4 : i32
        %mul3A_105 = arith.muli %scan3A_103, %mul3A_104 : i32
        %add3A_106 = arith.constant 0 : i32
        %add3A_107 = arith.addi %mul3A_105, %add3A_106 : i32
        %mul3A_108 = arith.constant 16 : i32
        %mul3A_109 = arith.muli %add3A_107, %mul3A_108 : i32
        %get3A = arith.index_cast %mul3A_109 : i32 to index
        %get3A_110 = tpu.vector_load %arg9[%get3A] {strides = array<i32>} : memref<8192xi32, #tpu.memory_space<vmem>>, vector<16xi32>,
        %get3A_111 = arith.index_cast %mul3A_109 : i32 to index
        %get3A_112 = tpu.vector_load %arg10[%get3A_111] {strides = array<i32>} : memref<8192xi32, #tpu.memory_space<vmem>>, vector<16xi32>,
        %gather3A = tpu.vector_load_idx %arg7[%get3A_110] : memref<40064xf32, #tpu.memory_space<vmem>>[vector<16xi32>], vector<16xf32>,
        %add3A_113 = arith.constant 10016 : i32
        %add3A_114 = vector.broadcast %add3A_113 : i32 to vector<16xi32>
        %add3A_115 = arith.addi %get3A_110, %add3A_114 : vector<16xi32>
        %add3A_116 = arith.constant 10016 : i32
        %add3A_117 = vector.broadcast %add3A_116 : i32 to vector<16xi32>
        %add3A_118 = arith.addi %get3A_112, %add3A_117 : vector<16xi32>
        %gather3A_119 = tpu.vector_load_idx %arg7[%add3A_115] : memref<40064xf32, #tpu.memory_space<vmem>>[vector<16xi32>], vector<16xf32>,
        %add3A_120 = arith.constant 20032 : i32
        %add3A_121 = vector.broadcast %add3A_120 : i32 to vector<16xi32>
        %add3A_122 = arith.addi %get3A_110, %add3A_121 : vector<16xi32>
        %add3A_123 = arith.constant 20032 : i32
        %add3A_124 = vector.broadcast %add3A_123 : i32 to vector<16xi32>
        %add3A_125 = arith.addi %get3A_112, %add3A_124 : vector<16xi32>
        %gather3A_126 = tpu.vector_load_idx %arg7[%add3A_122] : memref<40064xf32, #tpu.memory_space<vmem>>[vector<16xi32>], vector<16xf32>,
        %add3A_127 = arith.constant 30048 : i32
        %add3A_128 = vector.broadcast %add3A_127 : i32 to vector<16xi32>
        %add3A_129 = arith.addi %get3A_110, %add3A_128 : vector<16xi32>
        %add3A_130 = arith.constant 30048 : i32
        %add3A_131 = vector.broadcast %add3A_130 : i32 to vector<16xi32>
        %add3A_132 = arith.addi %get3A_112, %add3A_131 : vector<16xi32>
        %gather3A_133 = tpu.vector_load_idx %arg7[%add3A_129] : memref<40064xf32, #tpu.memory_space<vmem>>[vector<16xi32>], vector<16xf32>,
        %mul3A_134 = arith.constant 4 : i32
        %mul3A_135 = arith.muli %scan3A_103, %mul3A_134 : i32
        %add3A_136 = arith.constant 1 : i32
        %add3A_137 = arith.addi %mul3A_135, %add3A_136 : i32
        %mul3A_138 = arith.constant 16 : i32
        %mul3A_139 = arith.muli %add3A_137, %mul3A_138 : i32
        %get3A_140 = arith.index_cast %mul3A_139 : i32 to index
        %get3A_141 = tpu.vector_load %arg9[%get3A_140] {strides = array<i32>} : memref<8192xi32, #tpu.memory_space<vmem>>, vector<16xi32>,
        %get3A_142 = arith.index_cast %mul3A_139 : i32 to index
        %get3A_143 = tpu.vector_load %arg10[%get3A_142] {strides = array<i32>} : memref<8192xi32, #tpu.memory_space<vmem>>, vector<16xi32>,
        %gather3A_144 = tpu.vector_load_idx %arg7[%get3A_141] : memref<40064xf32, #tpu.memory_space<vmem>>[vector<16xi32>], vector<16xf32>,
        %add3A_145 = arith.constant 10016 : i32
        %add3A_146 = vector.broadcast %add3A_145 : i32 to vector<16xi32>
        %add3A_147 = arith.addi %get3A_141, %add3A_146 : vector<16xi32>
        %add3A_148 = arith.constant 10016 : i32
        %add3A_149 = vector.broadcast %add3A_148 : i32 to vector<16xi32>
        %add3A_150 = arith.addi %get3A_143, %add3A_149 : vector<16xi32>
        %gather3A_151 = tpu.vector_load_idx %arg7[%add3A_147] : memref<40064xf32, #tpu.memory_space<vmem>>[vector<16xi32>], vector<16xf32>,
        %add3A_152 = arith.constant 20032 : i32
        %add3A_153 = vector.broadcast %add3A_152 : i32 to vector<16xi32>
        %add3A_154 = arith.addi %get3A_141, %add3A_153 : vector<16xi32>
        %add3A_155 = arith.constant 20032 : i32
        %add3A_156 = vector.broadcast %add3A_155 : i32 to vector<16xi32>
        %add3A_157 = arith.addi %get3A_143, %add3A_156 : vector<16xi32>
        %gather3A_158 = tpu.vector_load_idx %arg7[%add3A_154] : memref<40064xf32, #tpu.memory_space<vmem>>[vector<16xi32>], vector<16xf32>,
        %add3A_159 = arith.constant 30048 : i32
        %add3A_160 = vector.broadcast %add3A_159 : i32 to vector<16xi32>
        %add3A_161 = arith.addi %get3A_141, %add3A_160 : vector<16xi32>
        %add3A_162 = arith.constant 30048 : i32
        %add3A_163 = vector.broadcast %add3A_162 : i32 to vector<16xi32>
        %add3A_164 = arith.addi %get3A_143, %add3A_163 : vector<16xi32>
        %gather3A_165 = tpu.vector_load_idx %arg7[%add3A_161] : memref<40064xf32, #tpu.memory_space<vmem>>[vector<16xi32>], vector<16xf32>,
        %mul3A_166 = arith.constant 4 : i32
        %mul3A_167 = arith.muli %scan3A_103, %mul3A_166 : i32
        %add3A_168 = arith.constant 2 : i32
        %add3A_169 = arith.addi %mul3A_167, %add3A_168 : i32
        %mul3A_170 = arith.constant 16 : i32
        %mul3A_171 = arith.muli %add3A_169, %mul3A_170 : i32
        %get3A_172 = arith.index_cast %mul3A_171 : i32 to index
        %get3A_173 = tpu.vector_load %arg9[%get3A_172] {strides = array<i32>} : memref<8192xi32, #tpu.memory_space<vmem>>, vector<16xi32>,
        %get3A_174 = arith.index_cast %mul3A_171 : i32 to index
        %get3A_175 = tpu.vector_load %arg10[%get3A_174] {strides = array<i32>} : memref<8192xi32, #tpu.memory_space<vmem>>, vector<16xi32>,
        %gather3A_176 = tpu.vector_load_idx %arg7[%get3A_173] : memref<40064xf32, #tpu.memory_space<vmem>>[vector<16xi32>], vector<16xf32>,
        %add3A_177 = arith.constant 10016 : i32
        %add3A_178 = vector.broadcast %add3A_177 : i32 to vector<16xi32>
        %add3A_179 = arith.addi %get3A_173, %add3A_178 : vector<16xi32>
        %add3A_180 = arith.constant 10016 : i32
        %add3A_181 = vector.broadcast %add3A_180 : i32 to vector<16xi32>
        %add3A_182 = arith.addi %get3A_175, %add3A_181 : vector<16xi32>
        %gather3A_183 = tpu.vector_load_idx %arg7[%add3A_179] : memref<40064xf32, #tpu.memory_space<vmem>>[vector<16xi32>], vector<16xf32>,
        %add3A_184 = arith.constant 20032 : i32
        %add3A_185 = vector.broadcast %add3A_184 : i32 to vector<16xi32>
        %add3A_186 = arith.addi %get3A_173, %add3A_185 : vector<16xi32>
        %add3A_187 = arith.constant 20032 : i32
        %add3A_188 = vector.broadcast %add3A_187 : i32 to vector<16xi32>
        %add3A_189 = arith.addi %get3A_175, %add3A_188 : vector<16xi32>
        %gather3A_190 = tpu.vector_load_idx %arg7[%add3A_186] : memref<40064xf32, #tpu.memory_space<vmem>>[vector<16xi32>], vector<16xf32>,
        %add3A_191 = arith.constant 30048 : i32
        %add3A_192 = vector.broadcast %add3A_191 : i32 to vector<16xi32>
        %add3A_193 = arith.addi %get3A_173, %add3A_192 : vector<16xi32>
        %add3A_194 = arith.constant 30048 : i32
        %add3A_195 = vector.broadcast %add3A_194 : i32 to vector<16xi32>
        %add3A_196 = arith.addi %get3A_175, %add3A_195 : vector<16xi32>
        %gather3A_197 = tpu.vector_load_idx %arg7[%add3A_193] : memref<40064xf32, #tpu.memory_space<vmem>>[vector<16xi32>], vector<16xf32>,
        %mul3A_198 = arith.constant 4 : i32
        %mul3A_199 = arith.muli %scan3A_103, %mul3A_198 : i32
        %add3A_200 = arith.constant 3 : i32
        %add3A_201 = arith.addi %mul3A_199, %add3A_200 : i32
        %mul3A_202 = arith.constant 16 : i32
        %mul3A_203 = arith.muli %add3A_201, %mul3A_202 : i32
        %get3A_204 = arith.index_cast %mul3A_203 : i32 to index
        %get3A_205 = tpu.vector_load %arg9[%get3A_204] {strides = array<i32>} : memref<8192xi32, #tpu.memory_space<vmem>>, vector<16xi32>,
        %get3A_206 = arith.index_cast %mul3A_203 : i32 to index
        %get3A_207 = tpu.vector_load %arg10[%get3A_206] {strides = array<i32>} : memref<8192xi32, #tpu.memory_space<vmem>>, vector<16xi32>,
        %gather3A_208 = tpu.vector_load_idx %arg7[%get3A_205] : memref<40064xf32, #tpu.memory_space<vmem>>[vector<16xi32>], vector<16xf32>,
        %add3A_209 = arith.constant 10016 : i32
        %add3A_210 = vector.broadcast %add3A_209 : i32 to vector<16xi32>
        %add3A_211 = arith.addi %get3A_205, %add3A_210 : vector<16xi32>
        %add3A_212 = arith.constant 10016 : i32
        %add3A_213 = vector.broadcast %add3A_212 : i32 to vector<16xi32>
        %add3A_214 = arith.addi %get3A_207, %add3A_213 : vector<16xi32>
        %gather3A_215 = tpu.vector_load_idx %arg7[%add3A_211] : memref<40064xf32, #tpu.memory_space<vmem>>[vector<16xi32>], vector<16xf32>,
        %add3A_216 = arith.constant 20032 : i32
        %add3A_217 = vector.broadcast %add3A_216 : i32 to vector<16xi32>
        %add3A_218 = arith.addi %get3A_205, %add3A_217 : vector<16xi32>
        %add3A_219 = arith.constant 20032 : i32
        %add3A_220 = vector.broadcast %add3A_219 : i32 to vector<16xi32>
        %add3A_221 = arith.addi %get3A_207, %add3A_220 : vector<16xi32>
        %gather3A_222 = tpu.vector_load_idx %arg7[%add3A_218] : memref<40064xf32, #tpu.memory_space<vmem>>[vector<16xi32>], vector<16xf32>,
        %add3A_223 = arith.constant 30048 : i32
        %add3A_224 = vector.broadcast %add3A_223 : i32 to vector<16xi32>
        %add3A_225 = arith.addi %get3A_205, %add3A_224 : vector<16xi32>
        %add3A_226 = arith.constant 30048 : i32
        %add3A_227 = vector.broadcast %add3A_226 : i32 to vector<16xi32>
        %add3A_228 = arith.addi %get3A_207, %add3A_227 : vector<16xi32>
        %gather3A_229 = tpu.vector_load_idx %arg7[%add3A_225] : memref<40064xf32, #tpu.memory_space<vmem>>[vector<16xi32>], vector<16xf32>,
        tpu.vector_store_idx %arg8[%get3A_112], %gather3A {add = true} : memref<40064xf32, #tpu.memory_space<vmem>>[vector<16xi32>], vector<16xf32>,
        tpu.vector_store_idx %arg8[%add3A_118], %gather3A_119 {add = true} : memref<40064xf32, #tpu.memory_space<vmem>>[vector<16xi32>], vector<16xf32>,
        tpu.vector_store_idx %arg8[%add3A_125], %gather3A_126 {add = true} : memref<40064xf32, #tpu.memory_space<vmem>>[vector<16xi32>], vector<16xf32>,
        tpu.vector_store_idx %arg8[%add3A_132], %gather3A_133 {add = true} : memref<40064xf32, #tpu.memory_space<vmem>>[vector<16xi32>], vector<16xf32>,
        tpu.vector_store_idx %arg8[%get3A_143], %gather3A_144 {add = true} : memref<40064xf32, #tpu.memory_space<vmem>>[vector<16xi32>], vector<16xf32>,
        tpu.vector_store_idx %arg8[%add3A_150], %gather3A_151 {add = true} : memref<40064xf32, #tpu.memory_space<vmem>>[vector<16xi32>], vector<16xf32>,
        tpu.vector_store_idx %arg8[%add3A_157], %gather3A_158 {add = true} : memref<40064xf32, #tpu.memory_space<vmem>>[vector<16xi32>], vector<16xf32>,
        tpu.vector_store_idx %arg8[%add3A_164], %gather3A_165 {add = true} : memref<40064xf32, #tpu.memory_space<vmem>>[vector<16xi32>], vector<16xf32>,
        tpu.vector_store_idx %arg8[%get3A_175], %gather3A_176 {add = true} : memref<40064xf32, #tpu.memory_space<vmem>>[vector<16xi32>], vector<16xf32>,
        tpu.vector_store_idx %arg8[%add3A_182], %gather3A_183 {add = true} : memref<40064xf32, #tpu.memory_space<vmem>>[vector<16xi32>], vector<16xf32>,
        tpu.vector_store_idx %arg8[%add3A_189], %gather3A_190 {add = true} : memref<40064xf32, #tpu.memory_space<vmem>>[vector<16xi32>], vector<16xf32>,
        tpu.vector_store_idx %arg8[%add3A_196], %gather3A_197 {add = true} : memref<40064xf32, #tpu.memory_space<vmem>>[vector<16xi32>], vector<16xf32>,
        tpu.vector_store_idx %arg8[%get3A_207], %gather3A_208 {add = true} : memref<40064xf32, #tpu.memory_space<vmem>>[vector<16xi32>], vector<16xf32>,
        tpu.vector_store_idx %arg8[%add3A_214], %gather3A_215 {add = true} : memref<40064xf32, #tpu.memory_space<vmem>>[vector<16xi32>], vector<16xf32>,
        tpu.vector_store_idx %arg8[%add3A_221], %gather3A_222 {add = true} : memref<40064xf32, #tpu.memory_space<vmem>>[vector<16xi32>], vector<16xf32>,
        tpu.vector_store_idx %arg8[%add3A_228], %gather3A_229 {add = true} : memref<40064xf32, #tpu.memory_space<vmem>>[vector<16xi32>], vector<16xf32>,
      }
      %scan3A_65 = arith.constant 128 : i32
      %dma_wait3A_66 = arith.constant 0 : i32
      %dma_wait3A_67 = arith.constant 0 : i32
      %dma_wait3A_68 = tpu.memref_slice %arg3[%arg0, %dma_wait3A_66, %dma_wait3A_67] : memref<2x1x163840xi32, #tpu.memory_space<hbm>> -> memref<1x1x8192xi32, #tpu.memory_space<hbm>>
      %dma_wait3A_69 = tpu.memref_squeeze %dma_wait3A_68 : memref<1x1x8192xi32, #tpu.memory_space<hbm>> -> memref<8192xi32, #tpu.memory_space<hbm>>
      %dma_wait3A_70 = arith.constant 0 : i32
      %dma_wait3A_71 = tpu.memref_slice %arg3[%arg0, %dma_wait3A_66, %dma_wait3A_70] : memref<2x1x163840xi32, #tpu.memory_space<hbm>> -> memref<1x1x8192xi32, #tpu.memory_space<hbm>>
      %dma_wait3A_72 = tpu.memref_squeeze %dma_wait3A_71 : memref<1x1x8192xi32, #tpu.memory_space<hbm>> -> memref<8192xi32, #tpu.memory_space<hbm>>
      tpu.wait_dma2 semaphore(%arg15 : memref<!tpu.dma_semaphore, #tpu.memory_space<semaphore_mem>>) src(%dma_wait3A_72 : memref<8192xi32, #tpu.memory_space<hbm>>) dst(%arg11 : memref<8192xi32, #tpu.memory_space<vmem>>)
      %dma_wait3A_73 = arith.constant 0 : i32
      %dma_wait3A_74 = arith.constant 0 : i32
      %dma_wait3A_75 = tpu.memref_slice %arg4[%arg0, %dma_wait3A_73, %dma_wait3A_74] : memref<2x1x163840xi32, #tpu.memory_space<hbm>> -> memref<1x1x8192xi32, #tpu.memory_space<hbm>>
      %dma_wait3A_76 = tpu.memref_squeeze %dma_wait3A_75 : memref<1x1x8192xi32, #tpu.memory_space<hbm>> -> memref<8192xi32, #tpu.memory_space<hbm>>
      %dma_wait3A_77 = arith.constant 0 : i32
      %dma_wait3A_78 = tpu.memref_slice %arg4[%arg0, %dma_wait3A_73, %dma_wait3A_77] : memref<2x1x163840xi32, #tpu.memory_space<hbm>> -> memref<1x1x8192xi32, #tpu.memory_space<hbm>>
      %dma_wait3A_79 = tpu.memref_squeeze %dma_wait3A_78 : memref<1x1x8192xi32, #tpu.memory_space<hbm>> -> memref<8192xi32, #tpu.memory_space<hbm>>
      tpu.wait_dma2 semaphore(%arg16 : memref<!tpu.dma_semaphore, #tpu.memory_space<semaphore_mem>>) src(%dma_wait3A_79 : memref<8192xi32, #tpu.memory_space<hbm>>) dst(%arg12 : memref<8192xi32, #tpu.memory_space<vmem>>)
      %add3A_80 = arith.constant 2 : i32
      %add3A_81 = arith.addi %mul3A_30, %add3A_80 : i32
      %min3A_82 = arith.constant 19 : i32
      %min3A_83 = arith.minsi %add3A_81, %min3A_82 : i32
      %mul3A_84 = arith.constant 8192 : i32
      %mul3A_85 = arith.muli %min3A_83, %mul3A_84 : i32
      %multiple_of3A_86 = tpu.assume_multiple %mul3A_85, 128 : i32
      %dma_start3A_87 = arith.constant 0 : i32
      %dma_start3A_88 = tpu.memref_slice %arg3[%arg0, %dma_start3A_87, %multiple_of3A_86] : memref<2x1x163840xi32, #tpu.memory_space<hbm>> -> memref<1x1x8192xi32, #tpu.memory_space<hbm>>
      %dma_start3A_89 = tpu.memref_squeeze %dma_start3A_88 : memref<1x1x8192xi32, #tpu.memory_space<hbm>> -> memref<8192xi32, #tpu.memory_space<hbm>>
      %dma_start3A_90 = tpu.memref_slice %arg3[%arg0, %dma_start3A_87, %multiple_of3A_86] : memref<2x1x163840xi32, #tpu.memory_space<hbm>> -> memref<1x1x8192xi32, #tpu.memory_space<hbm>>
      %dma_start3A_91 = tpu.memref_squeeze %dma_start3A_90 : memref<1x1x8192xi32, #tpu.memory_space<hbm>> -> memref<8192xi32, #tpu.memory_space<hbm>>
      tpu.enqueue_dma source(%dma_start3A_91 : memref<8192xi32, #tpu.memory_space<hbm>>) target(%arg9 : memref<8192xi32, #tpu.memory_space<vmem>>) target_semaphore(%arg13 : memref<!tpu.dma_semaphore, #tpu.memory_space<semaphore_mem>>)
      %dma_start3A_92 = arith.constant 0 : i32
      %dma_start3A_93 = tpu.memref_slice %arg4[%arg0, %dma_start3A_92, %multiple_of3A_86] : memref<2x1x163840xi32, #tpu.memory_space<hbm>> -> memref<1x1x8192xi32, #tpu.memory_space<hbm>>
      %dma_start3A_94 = tpu.memref_squeeze %dma_start3A_93 : memref<1x1x8192xi32, #tpu.memory_space<hbm>> -> memref<8192xi32, #tpu.memory_space<hbm>>
      %dma_start3A_95 = tpu.memref_slice %arg4[%arg0, %dma_start3A_92, %multiple_of3A_86] : memref<2x1x163840xi32, #tpu.memory_space<hbm>> -> memref<1x1x8192xi32, #tpu.memory_space<hbm>>
      %dma_start3A_96 = tpu.memref_squeeze %dma_start3A_95 : memref<1x1x8192xi32, #tpu.memory_space<hbm>> -> memref<8192xi32, #tpu.memory_space<hbm>>
      tpu.enqueue_dma source(%dma_start3A_96 : memref<8192xi32, #tpu.memory_space<hbm>>) target(%arg10 : memref<8192xi32, #tpu.memory_space<vmem>>) target_semaphore(%arg14 : memref<!tpu.dma_semaphore, #tpu.memory_space<semaphore_mem>>)
      %scan3A_97 = arith.constant 0 : i32
      %scan3A_98 = arith.constant 0 : i32
      %scan3A_99 = arith.constant 128 : i32
      %scan3A_100 = arith.addi %scan3A_98, %scan3A_99 : i32
      %scan3A_101 = arith.constant 1 : i32
      scf.for %scan3A_103 = %scan3A_98 to %scan3A_100 step %scan3A_101  : i32 {
        %mul3A_104 = arith.constant 4 : i32
        %mul3A_105 = arith.muli %scan3A_103, %mul3A_104 : i32
        %add3A_106 = arith.constant 0 : i32
        %add3A_107 = arith.addi %mul3A_105, %add3A_106 : i32
        %mul3A_108 = arith.constant 16 : i32
        %mul3A_109 = arith.muli %add3A_107, %mul3A_108 : i32
        %get3A = arith.index_cast %mul3A_109 : i32 to index
        %get3A_110 = tpu.vector_load %arg11[%get3A] {strides = array<i32>} : memref<8192xi32, #tpu.memory_space<vmem>>, vector<16xi32>,
        %get3A_111 = arith.index_cast %mul3A_109 : i32 to index
        %get3A_112 = tpu.vector_load %arg12[%get3A_111] {strides = array<i32>} : memref<8192xi32, #tpu.memory_space<vmem>>, vector<16xi32>,
        %gather3A = tpu.vector_load_idx %arg7[%get3A_110] : memref<40064xf32, #tpu.memory_space<vmem>>[vector<16xi32>], vector<16xf32>,
        %add3A_113 = arith.constant 10016 : i32
        %add3A_114 = vector.broadcast %add3A_113 : i32 to vector<16xi32>
        %add3A_115 = arith.addi %get3A_110, %add3A_114 : vector<16xi32>
        %add3A_116 = arith.constant 10016 : i32
        %add3A_117 = vector.broadcast %add3A_116 : i32 to vector<16xi32>
        %add3A_118 = arith.addi %get3A_112, %add3A_117 : vector<16xi32>
        %gather3A_119 = tpu.vector_load_idx %arg7[%add3A_115] : memref<40064xf32, #tpu.memory_space<vmem>>[vector<16xi32>], vector<16xf32>,
        %add3A_120 = arith.constant 20032 : i32
        %add3A_121 = vector.broadcast %add3A_120 : i32 to vector<16xi32>
        %add3A_122 = arith.addi %get3A_110, %add3A_121 : vector<16xi32>
        %add3A_123 = arith.constant 20032 : i32
        %add3A_124 = vector.broadcast %add3A_123 : i32 to vector<16xi32>
        %add3A_125 = arith.addi %get3A_112, %add3A_124 : vector<16xi32>
        %gather3A_126 = tpu.vector_load_idx %arg7[%add3A_122] : memref<40064xf32, #tpu.memory_space<vmem>>[vector<16xi32>], vector<16xf32>,
        %add3A_127 = arith.constant 30048 : i32
        %add3A_128 = vector.broadcast %add3A_127 : i32 to vector<16xi32>
        %add3A_129 = arith.addi %get3A_110, %add3A_128 : vector<16xi32>
        %add3A_130 = arith.constant 30048 : i32
        %add3A_131 = vector.broadcast %add3A_130 : i32 to vector<16xi32>
        %add3A_132 = arith.addi %get3A_112, %add3A_131 : vector<16xi32>
        %gather3A_133 = tpu.vector_load_idx %arg7[%add3A_129] : memref<40064xf32, #tpu.memory_space<vmem>>[vector<16xi32>], vector<16xf32>,
        %mul3A_134 = arith.constant 4 : i32
        %mul3A_135 = arith.muli %scan3A_103, %mul3A_134 : i32
        %add3A_136 = arith.constant 1 : i32
        %add3A_137 = arith.addi %mul3A_135, %add3A_136 : i32
        %mul3A_138 = arith.constant 16 : i32
        %mul3A_139 = arith.muli %add3A_137, %mul3A_138 : i32
        %get3A_140 = arith.index_cast %mul3A_139 : i32 to index
        %get3A_141 = tpu.vector_load %arg11[%get3A_140] {strides = array<i32>} : memref<8192xi32, #tpu.memory_space<vmem>>, vector<16xi32>,
        %get3A_142 = arith.index_cast %mul3A_139 : i32 to index
        %get3A_143 = tpu.vector_load %arg12[%get3A_142] {strides = array<i32>} : memref<8192xi32, #tpu.memory_space<vmem>>, vector<16xi32>,
        %gather3A_144 = tpu.vector_load_idx %arg7[%get3A_141] : memref<40064xf32, #tpu.memory_space<vmem>>[vector<16xi32>], vector<16xf32>,
        %add3A_145 = arith.constant 10016 : i32
        %add3A_146 = vector.broadcast %add3A_145 : i32 to vector<16xi32>
        %add3A_147 = arith.addi %get3A_141, %add3A_146 : vector<16xi32>
        %add3A_148 = arith.constant 10016 : i32
        %add3A_149 = vector.broadcast %add3A_148 : i32 to vector<16xi32>
        %add3A_150 = arith.addi %get3A_143, %add3A_149 : vector<16xi32>
        %gather3A_151 = tpu.vector_load_idx %arg7[%add3A_147] : memref<40064xf32, #tpu.memory_space<vmem>>[vector<16xi32>], vector<16xf32>,
        %add3A_152 = arith.constant 20032 : i32
        %add3A_153 = vector.broadcast %add3A_152 : i32 to vector<16xi32>
        %add3A_154 = arith.addi %get3A_141, %add3A_153 : vector<16xi32>
        %add3A_155 = arith.constant 20032 : i32
        %add3A_156 = vector.broadcast %add3A_155 : i32 to vector<16xi32>
        %add3A_157 = arith.addi %get3A_143, %add3A_156 : vector<16xi32>
        %gather3A_158 = tpu.vector_load_idx %arg7[%add3A_154] : memref<40064xf32, #tpu.memory_space<vmem>>[vector<16xi32>], vector<16xf32>,
        %add3A_159 = arith.constant 30048 : i32
        %add3A_160 = vector.broadcast %add3A_159 : i32 to vector<16xi32>
        %add3A_161 = arith.addi %get3A_141, %add3A_160 : vector<16xi32>
        %add3A_162 = arith.constant 30048 : i32
        %add3A_163 = vector.broadcast %add3A_162 : i32 to vector<16xi32>
        %add3A_164 = arith.addi %get3A_143, %add3A_163 : vector<16xi32>
        %gather3A_165 = tpu.vector_load_idx %arg7[%add3A_161] : memref<40064xf32, #tpu.memory_space<vmem>>[vector<16xi32>], vector<16xf32>,
        %mul3A_166 = arith.constant 4 : i32
        %mul3A_167 = arith.muli %scan3A_103, %mul3A_166 : i32
        %add3A_168 = arith.constant 2 : i32
        %add3A_169 = arith.addi %mul3A_167, %add3A_168 : i32
        %mul3A_170 = arith.constant 16 : i32
        %mul3A_171 = arith.muli %add3A_169, %mul3A_170 : i32
        %get3A_172 = arith.index_cast %mul3A_171 : i32 to index
        %get3A_173 = tpu.vector_load %arg11[%get3A_172] {strides = array<i32>} : memref<8192xi32, #tpu.memory_space<vmem>>, vector<16xi32>,
        %get3A_174 = arith.index_cast %mul3A_171 : i32 to index
        %get3A_175 = tpu.vector_load %arg12[%get3A_174] {strides = array<i32>} : memref<8192xi32, #tpu.memory_space<vmem>>, vector<16xi32>,
        %gather3A_176 = tpu.vector_load_idx %arg7[%get3A_173] : memref<40064xf32, #tpu.memory_space<vmem>>[vector<16xi32>], vector<16xf32>,
        %add3A_177 = arith.constant 10016 : i32
        %add3A_178 = vector.broadcast %add3A_177 : i32 to vector<16xi32>
        %add3A_179 = arith.addi %get3A_173, %add3A_178 : vector<16xi32>
        %add3A_180 = arith.constant 10016 : i32
        %add3A_181 = vector.broadcast %add3A_180 : i32 to vector<16xi32>
        %add3A_182 = arith.addi %get3A_175, %add3A_181 : vector<16xi32>
        %gather3A_183 = tpu.vector_load_idx %arg7[%add3A_179] : memref<40064xf32, #tpu.memory_space<vmem>>[vector<16xi32>], vector<16xf32>,
        %add3A_184 = arith.constant 20032 : i32
        %add3A_185 = vector.broadcast %add3A_184 : i32 to vector<16xi32>
        %add3A_186 = arith.addi %get3A_173, %add3A_185 : vector<16xi32>
        %add3A_187 = arith.constant 20032 : i32
        %add3A_188 = vector.broadcast %add3A_187 : i32 to vector<16xi32>
        %add3A_189 = arith.addi %get3A_175, %add3A_188 : vector<16xi32>
        %gather3A_190 = tpu.vector_load_idx %arg7[%add3A_186] : memref<40064xf32, #tpu.memory_space<vmem>>[vector<16xi32>], vector<16xf32>,
        %add3A_191 = arith.constant 30048 : i32
        %add3A_192 = vector.broadcast %add3A_191 : i32 to vector<16xi32>
        %add3A_193 = arith.addi %get3A_173, %add3A_192 : vector<16xi32>
        %add3A_194 = arith.constant 30048 : i32
        %add3A_195 = vector.broadcast %add3A_194 : i32 to vector<16xi32>
        %add3A_196 = arith.addi %get3A_175, %add3A_195 : vector<16xi32>
        %gather3A_197 = tpu.vector_load_idx %arg7[%add3A_193] : memref<40064xf32, #tpu.memory_space<vmem>>[vector<16xi32>], vector<16xf32>,
        %mul3A_198 = arith.constant 4 : i32
        %mul3A_199 = arith.muli %scan3A_103, %mul3A_198 : i32
        %add3A_200 = arith.constant 3 : i32
        %add3A_201 = arith.addi %mul3A_199, %add3A_200 : i32
        %mul3A_202 = arith.constant 16 : i32
        %mul3A_203 = arith.muli %add3A_201, %mul3A_202 : i32
        %get3A_204 = arith.index_cast %mul3A_203 : i32 to index
        %get3A_205 = tpu.vector_load %arg11[%get3A_204] {strides = array<i32>} : memref<8192xi32, #tpu.memory_space<vmem>>, vector<16xi32>,
        %get3A_206 = arith.index_cast %mul3A_203 : i32 to index
        %get3A_207 = tpu.vector_load %arg12[%get3A_206] {strides = array<i32>} : memref<8192xi32, #tpu.memory_space<vmem>>, vector<16xi32>,
        %gather3A_208 = tpu.vector_load_idx %arg7[%get3A_205] : memref<40064xf32, #tpu.memory_space<vmem>>[vector<16xi32>], vector<16xf32>,
        %add3A_209 = arith.constant 10016 : i32
        %add3A_210 = vector.broadcast %add3A_209 : i32 to vector<16xi32>
        %add3A_211 = arith.addi %get3A_205, %add3A_210 : vector<16xi32>
        %add3A_212 = arith.constant 10016 : i32
        %add3A_213 = vector.broadcast %add3A_212 : i32 to vector<16xi32>
        %add3A_214 = arith.addi %get3A_207, %add3A_213 : vector<16xi32>
        %gather3A_215 = tpu.vector_load_idx %arg7[%add3A_211] : memref<40064xf32, #tpu.memory_space<vmem>>[vector<16xi32>], vector<16xf32>,
        %add3A_216 = arith.constant 20032 : i32
        %add3A_217 = vector.broadcast %add3A_216 : i32 to vector<16xi32>
        %add3A_218 = arith.addi %get3A_205, %add3A_217 : vector<16xi32>
        %add3A_219 = arith.constant 20032 : i32
        %add3A_220 = vector.broadcast %add3A_219 : i32 to vector<16xi32>
        %add3A_221 = arith.addi %get3A_207, %add3A_220 : vector<16xi32>
        %gather3A_222 = tpu.vector_load_idx %arg7[%add3A_218] : memref<40064xf32, #tpu.memory_space<vmem>>[vector<16xi32>], vector<16xf32>,
        %add3A_223 = arith.constant 30048 : i32
        %add3A_224 = vector.broadcast %add3A_223 : i32 to vector<16xi32>
        %add3A_225 = arith.addi %get3A_205, %add3A_224 : vector<16xi32>
        %add3A_226 = arith.constant 30048 : i32
        %add3A_227 = vector.broadcast %add3A_226 : i32 to vector<16xi32>
        %add3A_228 = arith.addi %get3A_207, %add3A_227 : vector<16xi32>
        %gather3A_229 = tpu.vector_load_idx %arg7[%add3A_225] : memref<40064xf32, #tpu.memory_space<vmem>>[vector<16xi32>], vector<16xf32>,
        tpu.vector_store_idx %arg8[%get3A_112], %gather3A {add = true} : memref<40064xf32, #tpu.memory_space<vmem>>[vector<16xi32>], vector<16xf32>,
        tpu.vector_store_idx %arg8[%add3A_118], %gather3A_119 {add = true} : memref<40064xf32, #tpu.memory_space<vmem>>[vector<16xi32>], vector<16xf32>,
        tpu.vector_store_idx %arg8[%add3A_125], %gather3A_126 {add = true} : memref<40064xf32, #tpu.memory_space<vmem>>[vector<16xi32>], vector<16xf32>,
        tpu.vector_store_idx %arg8[%add3A_132], %gather3A_133 {add = true} : memref<40064xf32, #tpu.memory_space<vmem>>[vector<16xi32>], vector<16xf32>,
        tpu.vector_store_idx %arg8[%get3A_143], %gather3A_144 {add = true} : memref<40064xf32, #tpu.memory_space<vmem>>[vector<16xi32>], vector<16xf32>,
        tpu.vector_store_idx %arg8[%add3A_150], %gather3A_151 {add = true} : memref<40064xf32, #tpu.memory_space<vmem>>[vector<16xi32>], vector<16xf32>,
        tpu.vector_store_idx %arg8[%add3A_157], %gather3A_158 {add = true} : memref<40064xf32, #tpu.memory_space<vmem>>[vector<16xi32>], vector<16xf32>,
        tpu.vector_store_idx %arg8[%add3A_164], %gather3A_165 {add = true} : memref<40064xf32, #tpu.memory_space<vmem>>[vector<16xi32>], vector<16xf32>,
        tpu.vector_store_idx %arg8[%get3A_175], %gather3A_176 {add = true} : memref<40064xf32, #tpu.memory_space<vmem>>[vector<16xi32>], vector<16xf32>,
        tpu.vector_store_idx %arg8[%add3A_182], %gather3A_183 {add = true} : memref<40064xf32, #tpu.memory_space<vmem>>[vector<16xi32>], vector<16xf32>,
        tpu.vector_store_idx %arg8[%add3A_189], %gather3A_190 {add = true} : memref<40064xf32, #tpu.memory_space<vmem>>[vector<16xi32>], vector<16xf32>,
        tpu.vector_store_idx %arg8[%add3A_196], %gather3A_197 {add = true} : memref<40064xf32, #tpu.memory_space<vmem>>[vector<16xi32>], vector<16xf32>,
        tpu.vector_store_idx %arg8[%get3A_207], %gather3A_208 {add = true} : memref<40064xf32, #tpu.memory_space<vmem>>[vector<16xi32>], vector<16xf32>,
        tpu.vector_store_idx %arg8[%add3A_214], %gather3A_215 {add = true} : memref<40064xf32, #tpu.memory_space<vmem>>[vector<16xi32>], vector<16xf32>,
        tpu.vector_store_idx %arg8[%add3A_221], %gather3A_222 {add = true} : memref<40064xf32, #tpu.memory_space<vmem>>[vector<16xi32>], vector<16xf32>,
        tpu.vector_store_idx %arg8[%add3A_228], %gather3A_229 {add = true} : memref<40064xf32, #tpu.memory_space<vmem>>[vector<16xi32>], vector<16xf32>,
      }
      %scan3A_102 = arith.constant 128 : i32
    }
    %scan3A_14 = arith.constant 10 : i32
    %dma_wait3A = arith.constant 0 : i32
    %dma_wait3A_15 = arith.constant 0 : i32
    %dma_wait3A_16 = tpu.memref_slice %arg3[%arg0, %dma_wait3A, %dma_wait3A_15] : memref<2x1x163840xi32, #tpu.memory_space<hbm>> -> memref<1x1x8192xi32, #tpu.memory_space<hbm>>
    %dma_wait3A_17 = tpu.memref_squeeze %dma_wait3A_16 : memref<1x1x8192xi32, #tpu.memory_space<hbm>> -> memref<8192xi32, #tpu.memory_space<hbm>>
    %dma_wait3A_18 = arith.constant 0 : i32
    %dma_wait3A_19 = tpu.memref_slice %arg3[%arg0, %dma_wait3A, %dma_wait3A_18] : memref<2x1x163840xi32, #tpu.memory_space<hbm>> -> memref<1x1x8192xi32, #tpu.memory_space<hbm>>
    %dma_wait3A_20 = tpu.memref_squeeze %dma_wait3A_19 : memref<1x1x8192xi32, #tpu.memory_space<hbm>> -> memref<8192xi32, #tpu.memory_space<hbm>>
    tpu.wait_dma2 semaphore(%arg13 : memref<!tpu.dma_semaphore, #tpu.memory_space<semaphore_mem>>) src(%dma_wait3A_20 : memref<8192xi32, #tpu.memory_space<hbm>>) dst(%arg9 : memref<8192xi32, #tpu.memory_space<vmem>>)
    %dma_wait3A_21 = arith.constant 0 : i32
    %dma_wait3A_22 = arith.constant 0 : i32
    %dma_wait3A_23 = tpu.memref_slice %arg4[%arg0, %dma_wait3A_21, %dma_wait3A_22] : memref<2x1x163840xi32, #tpu.memory_space<hbm>> -> memref<1x1x8192xi32, #tpu.memory_space<hbm>>
    %dma_wait3A_24 = tpu.memref_squeeze %dma_wait3A_23 : memref<1x1x8192xi32, #tpu.memory_space<hbm>> -> memref<8192xi32, #tpu.memory_space<hbm>>
    %dma_wait3A_25 = arith.constant 0 : i32
    %dma_wait3A_26 = tpu.memref_slice %arg4[%arg0, %dma_wait3A_21, %dma_wait3A_25] : memref<2x1x163840xi32, #tpu.memory_space<hbm>> -> memref<1x1x8192xi32, #tpu.memory_space<hbm>>
    %dma_wait3A_27 = tpu.memref_squeeze %dma_wait3A_26 : memref<1x1x8192xi32, #tpu.memory_space<hbm>> -> memref<8192xi32, #tpu.memory_space<hbm>>
    tpu.wait_dma2 semaphore(%arg14 : memref<!tpu.dma_semaphore, #tpu.memory_space<semaphore_mem>>) src(%dma_wait3A_27 : memref<8192xi32, #tpu.memory_space<hbm>>) dst(%arg10 : memref<8192xi32, #tpu.memory_space<vmem>>)
    %run_scoped3A_28 = arith.constant 0 : i32
    "tpu.region"() ({
      %run_scoped3A_29 = tpu.sem_alloc : memref<!tpu.dma_semaphore, #tpu.memory_space<semaphore_mem>>
      %dma_start3A_30 = arith.constant 0 : i32
      %dma_start3A_31 = tpu.memref_slice %arg6[%arg1, %arg0, %run_scoped3A_28, %dma_start3A_30] : memref<16x2x1x40064xf32, #tpu.memory_space<hbm>> -> memref<1x1x1x40064xf32, #tpu.memory_space<hbm>>
      %dma_start3A_32 = tpu.memref_squeeze %dma_start3A_31 : memref<1x1x1x40064xf32, #tpu.memory_space<hbm>> -> memref<40064xf32, #tpu.memory_space<hbm>>
      %dma_start3A_33 = arith.constant 0 : i32
      %dma_start3A_34 = tpu.memref_slice %arg6[%arg1, %arg0, %run_scoped3A_28, %dma_start3A_33] : memref<16x2x1x40064xf32, #tpu.memory_space<hbm>> -> memref<1x1x1x40064xf32, #tpu.memory_space<hbm>>
      %dma_start3A_35 = tpu.memref_squeeze %dma_start3A_34 : memref<1x1x1x40064xf32, #tpu.memory_space<hbm>> -> memref<40064xf32, #tpu.memory_space<hbm>>
      tpu.enqueue_dma source(%arg8 : memref<40064xf32, #tpu.memory_space<vmem>>) target(%dma_start3A_35 : memref<40064xf32, #tpu.memory_space<hbm>>) target_semaphore(%run_scoped3A_29 : memref<!tpu.dma_semaphore, #tpu.memory_space<semaphore_mem>>)
      %dma_wait3A_36 = arith.constant 0 : i32
      %dma_wait3A_37 = tpu.memref_slice %arg6[%arg1, %arg0, %run_scoped3A_28, %dma_wait3A_36] : memref<16x2x1x40064xf32, #tpu.memory_space<hbm>> -> memref<1x1x1x40064xf32, #tpu.memory_space<hbm>>
      %dma_wait3A_38 = tpu.memref_squeeze %dma_wait3A_37 : memref<1x1x1x40064xf32, #tpu.memory_space<hbm>> -> memref<40064xf32, #tpu.memory_space<hbm>>
      %dma_wait3A_39 = arith.constant 0 : i32
      %dma_wait3A_40 = tpu.memref_slice %arg6[%arg1, %arg0, %run_scoped3A_28, %dma_wait3A_39] : memref<16x2x1x40064xf32, #tpu.memory_space<hbm>> -> memref<1x1x1x40064xf32, #tpu.memory_space<hbm>>
      %dma_wait3A_41 = tpu.memref_squeeze %dma_wait3A_40 : memref<1x1x1x40064xf32, #tpu.memory_space<hbm>> -> memref<40064xf32, #tpu.memory_space<hbm>>
      tpu.wait_dma2 semaphore(%run_scoped3A_29 : memref<!tpu.dma_semaphore, #tpu.memory_space<semaphore_mem>>) src(%arg8 : memref<40064xf32, #tpu.memory_space<vmem>>) dst(%dma_wait3A_41 : memref<40064xf32, #tpu.memory_space<hbm>>)
      tpu.yield
    }) : () -> ()
    return
  }
}

#map = affine_map<(d0, d1) -> (0, 0)>
#map1 = affine_map<(d0, d1) -> (0)>
module attributes {stable_mosaic.version = 14 : i64} {
  func.func @deg_kernel(%arg0: i32, %arg1: i32, %arg2: memref<32x10240xi32, #tpu.memory_space<hbm>>, %arg3: memref<10240xf32, #tpu.memory_space<hbm>>, %arg4: memref<32x10240xf32, #tpu.memory_space<hbm>>, %arg5: memref<10240xf32, #tpu.memory_space<vmem>>, %arg6: memref<10240xi32, #tpu.memory_space<vmem>>) attributes {dimension_semantics = [#tpu.dimension_semantics<core_parallel>, #tpu.dimension_semantics<subcore_parallel>], iteration_bounds = array<i64: 2, 16>, scalar_prefetch = 0 : i64, scratch_operands = 2 : i64, tpu.core_type = #tpu.core_type<sc_vector_subcore>, window_params = [{transform_indices = #map}, {transform_indices = #map1}, {transform_indices = #map}]} {
    %mul3A = arith.constant 16 : i32
    %mul3A_0 = arith.muli %arg0, %mul3A : i32
    %add3A = arith.addi %mul3A_0, %arg1 : i32
    "tpu.region"() ({
      %run_scoped3A = tpu.sem_alloc : memref<!tpu.dma_semaphore, #tpu.memory_space<semaphore_mem>>
      %dma_start3A = arith.constant 0 : i32
      %dma_start3A_7 = tpu.memref_slice %arg2[%add3A, %dma_start3A] : memref<32x10240xi32, #tpu.memory_space<hbm>> -> memref<1x10240xi32, #tpu.memory_space<hbm>>
      %dma_start3A_8 = tpu.memref_squeeze %dma_start3A_7 : memref<1x10240xi32, #tpu.memory_space<hbm>> -> memref<10240xi32, #tpu.memory_space<hbm>>
      %dma_start3A_9 = arith.constant 0 : i32
      %dma_start3A_10 = tpu.memref_slice %arg2[%add3A, %dma_start3A_9] : memref<32x10240xi32, #tpu.memory_space<hbm>> -> memref<1x10240xi32, #tpu.memory_space<hbm>>
      %dma_start3A_11 = tpu.memref_squeeze %dma_start3A_10 : memref<1x10240xi32, #tpu.memory_space<hbm>> -> memref<10240xi32, #tpu.memory_space<hbm>>
      tpu.enqueue_dma source(%dma_start3A_11 : memref<10240xi32, #tpu.memory_space<hbm>>) target(%arg6 : memref<10240xi32, #tpu.memory_space<vmem>>) target_semaphore(%run_scoped3A : memref<!tpu.dma_semaphore, #tpu.memory_space<semaphore_mem>>)
      %dma_wait3A = arith.constant 0 : i32
      %dma_wait3A_12 = tpu.memref_slice %arg2[%add3A, %dma_wait3A] : memref<32x10240xi32, #tpu.memory_space<hbm>> -> memref<1x10240xi32, #tpu.memory_space<hbm>>
      %dma_wait3A_13 = tpu.memref_squeeze %dma_wait3A_12 : memref<1x10240xi32, #tpu.memory_space<hbm>> -> memref<10240xi32, #tpu.memory_space<hbm>>
      %dma_wait3A_14 = arith.constant 0 : i32
      %dma_wait3A_15 = tpu.memref_slice %arg2[%add3A, %dma_wait3A_14] : memref<32x10240xi32, #tpu.memory_space<hbm>> -> memref<1x10240xi32, #tpu.memory_space<hbm>>
      %dma_wait3A_16 = tpu.memref_squeeze %dma_wait3A_15 : memref<1x10240xi32, #tpu.memory_space<hbm>> -> memref<10240xi32, #tpu.memory_space<hbm>>
      tpu.wait_dma2 semaphore(%run_scoped3A : memref<!tpu.dma_semaphore, #tpu.memory_space<semaphore_mem>>) src(%dma_wait3A_16 : memref<10240xi32, #tpu.memory_space<hbm>>) dst(%arg6 : memref<10240xi32, #tpu.memory_space<vmem>>)
      tpu.yield
    }) : () -> ()
    "tpu.region"() ({
      %run_scoped3A = tpu.sem_alloc : memref<!tpu.dma_semaphore, #tpu.memory_space<semaphore_mem>>
      tpu.enqueue_dma source(%arg3 : memref<10240xf32, #tpu.memory_space<hbm>>) target(%arg5 : memref<10240xf32, #tpu.memory_space<vmem>>) target_semaphore(%run_scoped3A : memref<!tpu.dma_semaphore, #tpu.memory_space<semaphore_mem>>)
      tpu.wait_dma2 semaphore(%run_scoped3A : memref<!tpu.dma_semaphore, #tpu.memory_space<semaphore_mem>>) src(%arg3 : memref<10240xf32, #tpu.memory_space<hbm>>) dst(%arg5 : memref<10240xf32, #tpu.memory_space<vmem>>)
      tpu.yield
    }) : () -> ()
    %broadcast_in_dim3A = arith.constant 1.000000e+00 : f32
    %broadcast_in_dim3A_1 = vector.broadcast %broadcast_in_dim3A : f32 to vector<16xf32>
    %scan3A = arith.constant 0 : i32
    %scan3A_2 = arith.constant 0 : i32
    %scan3A_3 = arith.constant 160 : i32
    %scan3A_4 = arith.addi %scan3A_2, %scan3A_3 : i32
    %scan3A_5 = arith.constant 1 : i32
    scf.for %scan3A_7 = %scan3A_2 to %scan3A_4 step %scan3A_5  : i32 {
      %mul3A_8 = arith.constant 4 : i32
      %mul3A_9 = arith.muli %scan3A_7, %mul3A_8 : i32
      %add3A_10 = arith.constant 0 : i32
      %add3A_11 = arith.addi %mul3A_9, %add3A_10 : i32
      %mul3A_12 = arith.constant 16 : i32
      %mul3A_13 = arith.muli %add3A_11, %mul3A_12 : i32
      %get3A = arith.index_cast %mul3A_13 : i32 to index
      %get3A_14 = tpu.vector_load %arg6[%get3A] {strides = array<i32>} : memref<10240xi32, #tpu.memory_space<vmem>>, vector<16xi32>,
      tpu.vector_store_idx %arg5[%get3A_14], %broadcast_in_dim3A_1 {add = true} : memref<10240xf32, #tpu.memory_space<vmem>>[vector<16xi32>], vector<16xf32>,
      %mul3A_15 = arith.constant 4 : i32
      %mul3A_16 = arith.muli %scan3A_7, %mul3A_15 : i32
      %add3A_17 = arith.constant 1 : i32
      %add3A_18 = arith.addi %mul3A_16, %add3A_17 : i32
      %mul3A_19 = arith.constant 16 : i32
      %mul3A_20 = arith.muli %add3A_18, %mul3A_19 : i32
      %get3A_21 = arith.index_cast %mul3A_20 : i32 to index
      %get3A_22 = tpu.vector_load %arg6[%get3A_21] {strides = array<i32>} : memref<10240xi32, #tpu.memory_space<vmem>>, vector<16xi32>,
      tpu.vector_store_idx %arg5[%get3A_22], %broadcast_in_dim3A_1 {add = true} : memref<10240xf32, #tpu.memory_space<vmem>>[vector<16xi32>], vector<16xf32>,
      %mul3A_23 = arith.constant 4 : i32
      %mul3A_24 = arith.muli %scan3A_7, %mul3A_23 : i32
      %add3A_25 = arith.constant 2 : i32
      %add3A_26 = arith.addi %mul3A_24, %add3A_25 : i32
      %mul3A_27 = arith.constant 16 : i32
      %mul3A_28 = arith.muli %add3A_26, %mul3A_27 : i32
      %get3A_29 = arith.index_cast %mul3A_28 : i32 to index
      %get3A_30 = tpu.vector_load %arg6[%get3A_29] {strides = array<i32>} : memref<10240xi32, #tpu.memory_space<vmem>>, vector<16xi32>,
      tpu.vector_store_idx %arg5[%get3A_30], %broadcast_in_dim3A_1 {add = true} : memref<10240xf32, #tpu.memory_space<vmem>>[vector<16xi32>], vector<16xf32>,
      %mul3A_31 = arith.constant 4 : i32
      %mul3A_32 = arith.muli %scan3A_7, %mul3A_31 : i32
      %add3A_33 = arith.constant 3 : i32
      %add3A_34 = arith.addi %mul3A_32, %add3A_33 : i32
      %mul3A_35 = arith.constant 16 : i32
      %mul3A_36 = arith.muli %add3A_34, %mul3A_35 : i32
      %get3A_37 = arith.index_cast %mul3A_36 : i32 to index
      %get3A_38 = tpu.vector_load %arg6[%get3A_37] {strides = array<i32>} : memref<10240xi32, #tpu.memory_space<vmem>>, vector<16xi32>,
      tpu.vector_store_idx %arg5[%get3A_38], %broadcast_in_dim3A_1 {add = true} : memref<10240xf32, #tpu.memory_space<vmem>>[vector<16xi32>], vector<16xf32>,
    }
    %scan3A_6 = arith.constant 160 : i32
    "tpu.region"() ({
      %run_scoped3A = tpu.sem_alloc : memref<!tpu.dma_semaphore, #tpu.memory_space<semaphore_mem>>
      %dma_start3A = arith.constant 0 : i32
      %dma_start3A_7 = tpu.memref_slice %arg4[%add3A, %dma_start3A] : memref<32x10240xf32, #tpu.memory_space<hbm>> -> memref<1x10240xf32, #tpu.memory_space<hbm>>
      %dma_start3A_8 = tpu.memref_squeeze %dma_start3A_7 : memref<1x10240xf32, #tpu.memory_space<hbm>> -> memref<10240xf32, #tpu.memory_space<hbm>>
      %dma_start3A_9 = arith.constant 0 : i32
      %dma_start3A_10 = tpu.memref_slice %arg4[%add3A, %dma_start3A_9] : memref<32x10240xf32, #tpu.memory_space<hbm>> -> memref<1x10240xf32, #tpu.memory_space<hbm>>
      %dma_start3A_11 = tpu.memref_squeeze %dma_start3A_10 : memref<1x10240xf32, #tpu.memory_space<hbm>> -> memref<10240xf32, #tpu.memory_space<hbm>>
      tpu.enqueue_dma source(%arg5 : memref<10240xf32, #tpu.memory_space<vmem>>) target(%dma_start3A_11 : memref<10240xf32, #tpu.memory_space<hbm>>) target_semaphore(%run_scoped3A : memref<!tpu.dma_semaphore, #tpu.memory_space<semaphore_mem>>)
      %dma_wait3A = arith.constant 0 : i32
      %dma_wait3A_12 = tpu.memref_slice %arg4[%add3A, %dma_wait3A] : memref<32x10240xf32, #tpu.memory_space<hbm>> -> memref<1x10240xf32, #tpu.memory_space<hbm>>
      %dma_wait3A_13 = tpu.memref_squeeze %dma_wait3A_12 : memref<1x10240xf32, #tpu.memory_space<hbm>> -> memref<10240xf32, #tpu.memory_space<hbm>>
      %dma_wait3A_14 = arith.constant 0 : i32
      %dma_wait3A_15 = tpu.memref_slice %arg4[%add3A, %dma_wait3A_14] : memref<32x10240xf32, #tpu.memory_space<hbm>> -> memref<1x10240xf32, #tpu.memory_space<hbm>>
      %dma_wait3A_16 = tpu.memref_squeeze %dma_wait3A_15 : memref<1x10240xf32, #tpu.memory_space<hbm>> -> memref<10240xf32, #tpu.memory_space<hbm>>
      tpu.wait_dma2 semaphore(%run_scoped3A : memref<!tpu.dma_semaphore, #tpu.memory_space<semaphore_mem>>) src(%arg5 : memref<10240xf32, #tpu.memory_space<vmem>>) dst(%dma_wait3A_16 : memref<10240xf32, #tpu.memory_space<hbm>>)
      tpu.yield
    }) : () -> ()
    return
  }
}

#map = affine_map<(d0, d1) -> (0, 0, 0)>
#map1 = affine_map<(d0, d1) -> (0)>
#map2 = affine_map<(d0, d1) -> (0, 0, 0, 0)>
module attributes {stable_mosaic.version = 14 : i64} {
  func.func @edge_kernel(%arg0: i32, %arg1: i32, %arg2: memref<16x1x40064xf32, #tpu.memory_space<hbm>>, %arg3: memref<2x1x163840xi32, #tpu.memory_space<hbm>>, %arg4: memref<2x1x163840xi32, #tpu.memory_space<hbm>>, %arg5: memref<40064xf32, #tpu.memory_space<hbm>>, %arg6: memref<16x2x1x40064xf32, #tpu.memory_space<hbm>>, %arg7: memref<40064xf32, #tpu.memory_space<vmem>>, %arg8: memref<40064xf32, #tpu.memory_space<vmem>>, %arg9: memref<8192xi32, #tpu.memory_space<vmem>>, %arg10: memref<8192xi32, #tpu.memory_space<vmem>>, %arg11: memref<8192xi32, #tpu.memory_space<vmem>>, %arg12: memref<8192xi32, #tpu.memory_space<vmem>>, %arg13: memref<!tpu.dma_semaphore, #tpu.memory_space<semaphore_mem>>, %arg14: memref<!tpu.dma_semaphore, #tpu.memory_space<semaphore_mem>>, %arg15: memref<!tpu.dma_semaphore, #tpu.memory_space<semaphore_mem>>, %arg16: memref<!tpu.dma_semaphore, #tpu.memory_space<semaphore_mem>>) attributes {dimension_semantics = [#tpu.dimension_semantics<core_parallel>, #tpu.dimension_semantics<subcore_parallel>], iteration_bounds = array<i64: 2, 16>, scalar_prefetch = 0 : i64, scratch_operands = 10 : i64, tpu.core_type = #tpu.core_type<sc_vector_subcore>, window_params = [{transform_indices = #map}, {transform_indices = #map}, {transform_indices = #map}, {transform_indices = #map1}, {transform_indices = #map2}]} {
    %run_scoped3A = arith.constant 0 : i32
    "tpu.region"() ({
      %run_scoped3A_29 = tpu.sem_alloc : memref<!tpu.dma_semaphore, #tpu.memory_space<semaphore_mem>>
      %dma_start3A_30 = arith.constant 0 : i32
      %dma_start3A_31 = tpu.memref_slice %arg2[%arg1, %run_scoped3A, %dma_start3A_30] : memref<16x1x40064xf32, #tpu.memory_space<hbm>> -> memref<1x1x40064xf32, #tpu.memory_space<hbm>>
      %dma_start3A_32 = tpu.memref_squeeze %dma_start3A_31 : memref<1x1x40064xf32, #tpu.memory_space<hbm>> -> memref<40064xf32, #tpu.memory_space<hbm>>
      %dma_start3A_33 = arith.constant 0 : i32
      %dma_start3A_34 = tpu.memref_slice %arg2[%arg1, %run_scoped3A, %dma_start3A_33] : memref<16x1x40064xf32, #tpu.memory_space<hbm>> -> memref<1x1x40064xf32, #tpu.memory_space<hbm>>
      %dma_start3A_35 = tpu.memref_squeeze %dma_start3A_34 : memref<1x1x40064xf32, #tpu.memory_space<hbm>> -> memref<40064xf32, #tpu.memory_space<hbm>>
      tpu.enqueue_dma source(%dma_start3A_35 : memref<40064xf32, #tpu.memory_space<hbm>>) target(%arg7 : memref<40064xf32, #tpu.memory_space<vmem>>) target_semaphore(%run_scoped3A_29 : memref<!tpu.dma_semaphore, #tpu.memory_space<semaphore_mem>>)
      %dma_wait3A_36 = arith.constant 0 : i32
      %dma_wait3A_37 = tpu.memref_slice %arg2[%arg1, %run_scoped3A, %dma_wait3A_36] : memref<16x1x40064xf32, #tpu.memory_space<hbm>> -> memref<1x1x40064xf32, #tpu.memory_space<hbm>>
      %dma_wait3A_38 = tpu.memref_squeeze %dma_wait3A_37 : memref<1x1x40064xf32, #tpu.memory_space<hbm>> -> memref<40064xf32, #tpu.memory_space<hbm>>
      %dma_wait3A_39 = arith.constant 0 : i32
      %dma_wait3A_40 = tpu.memref_slice %arg2[%arg1, %run_scoped3A, %dma_wait3A_39] : memref<16x1x40064xf32, #tpu.memory_space<hbm>> -> memref<1x1x40064xf32, #tpu.memory_space<hbm>>
      %dma_wait3A_41 = tpu.memref_squeeze %dma_wait3A_40 : memref<1x1x40064xf32, #tpu.memory_space<hbm>> -> memref<40064xf32, #tpu.memory_space<hbm>>
      tpu.wait_dma2 semaphore(%run_scoped3A_29 : memref<!tpu.dma_semaphore, #tpu.memory_space<semaphore_mem>>) src(%dma_wait3A_41 : memref<40064xf32, #tpu.memory_space<hbm>>) dst(%arg7 : memref<40064xf32, #tpu.memory_space<vmem>>)
      tpu.yield
    }) : () -> ()
    "tpu.region"() ({
      %run_scoped3A_29 = tpu.sem_alloc : memref<!tpu.dma_semaphore, #tpu.memory_space<semaphore_mem>>
      tpu.enqueue_dma source(%arg5 : memref<40064xf32, #tpu.memory_space<hbm>>) target(%arg8 : memref<40064xf32, #tpu.memory_space<vmem>>) target_semaphore(%run_scoped3A_29 : memref<!tpu.dma_semaphore, #tpu.memory_space<semaphore_mem>>)
      tpu.wait_dma2 semaphore(%run_scoped3A_29 : memref<!tpu.dma_semaphore, #tpu.memory_space<semaphore_mem>>) src(%arg5 : memref<40064xf32, #tpu.memory_space<hbm>>) dst(%arg8 : memref<40064xf32, #tpu.memory_space<vmem>>)
      tpu.yield
    }) : () -> ()
    %multiple_of3A = arith.constant 0 : i32
    %multiple_of3A_0 = tpu.assume_multiple %multiple_of3A, 128 : i32
    %dma_start3A = arith.constant 0 : i32
    %dma_start3A_1 = tpu.memref_slice %arg3[%arg0, %dma_start3A, %multiple_of3A_0] : memref<2x1x163840xi32, #tpu.memory_space<hbm>> -> memref<1x1x8192xi32, #tpu.memory_space<hbm>>
    %dma_start3A_2 = tpu.memref_squeeze %dma_start3A_1 : memref<1x1x8192xi32, #tpu.memory_space<hbm>> -> memref<8192xi32, #tpu.memory_space<hbm>>
    %dma_start3A_3 = tpu.memref_slice %arg3[%arg0, %dma_start3A, %multiple_of3A_0] : memref<2x1x163840xi32, #tpu.memory_space<hbm>> -> memref<1x1x8192xi32, #tpu.memory_space<hbm>>
    %dma_start3A_4 = tpu.memref_squeeze %dma_start3A_3 : memref<1x1x8192xi32, #tpu.memory_space<hbm>> -> memref<8192xi32, #tpu.memory_space<hbm>>
    tpu.enqueue_dma source(%dma_start3A_4 : memref<8192xi32, #tpu.memory_space<hbm>>) target(%arg9 : memref<8192xi32, #tpu.memory_space<vmem>>) target_semaphore(%arg13 : memref<!tpu.dma_semaphore, #tpu.memory_space<semaphore_mem>>)
    %dma_start3A_5 = arith.constant 0 : i32
    %dma_start3A_6 = tpu.memref_slice %arg4[%arg0, %dma_start3A_5, %multiple_of3A_0] : memref<2x1x163840xi32, #tpu.memory_space<hbm>> -> memref<1x1x8192xi32, #tpu.memory_space<hbm>>
    %dma_start3A_7 = tpu.memref_squeeze %dma_start3A_6 : memref<1x1x8192xi32, #tpu.memory_space<hbm>> -> memref<8192xi32, #tpu.memory_space<hbm>>
    %dma_start3A_8 = tpu.memref_slice %arg4[%arg0, %dma_start3A_5, %multiple_of3A_0] : memref<2x1x163840xi32, #tpu.memory_space<hbm>> -> memref<1x1x8192xi32, #tpu.memory_space<hbm>>
    %dma_start3A_9 = tpu.memref_squeeze %dma_start3A_8 : memref<1x1x8192xi32, #tpu.memory_space<hbm>> -> memref<8192xi32, #tpu.memory_space<hbm>>
    tpu.enqueue_dma source(%dma_start3A_9 : memref<8192xi32, #tpu.memory_space<hbm>>) target(%arg10 : memref<8192xi32, #tpu.memory_space<vmem>>) target_semaphore(%arg14 : memref<!tpu.dma_semaphore, #tpu.memory_space<semaphore_mem>>)
    %scan3A = arith.constant 0 : i32
    %scan3A_10 = arith.constant 0 : i32
    %scan3A_11 = arith.constant 10 : i32
    %scan3A_12 = arith.addi %scan3A_10, %scan3A_11 : i32
    %scan3A_13 = arith.constant 1 : i32
    scf.for %scan3A_29 = %scan3A_10 to %scan3A_12 step %scan3A_13  : i32 {
      %mul3A = arith.constant 2 : i32
      %mul3A_30 = arith.muli %scan3A_29, %mul3A : i32
      %dma_wait3A_31 = arith.constant 0 : i32
      %dma_wait3A_32 = arith.constant 0 : i32
      %dma_wait3A_33 = tpu.memref_slice %arg3[%arg0, %dma_wait3A_31, %dma_wait3A_32] : memref<2x1x163840xi32, #tpu.memory_space<hbm>> -> memref<1x1x8192xi32, #tpu.memory_space<hbm>>
      %dma_wait3A_34 = tpu.memref_squeeze %dma_wait3A_33 : memref<1x1x8192xi32, #tpu.memory_space<hbm>> -> memref<8192xi32, #tpu.memory_space<hbm>>
      %dma_wait3A_35 = arith.constant 0 : i32
      %dma_wait3A_36 = tpu.memref_slice %arg3[%arg0, %dma_wait3A_31, %dma_wait3A_35] : memref<2x1x163840xi32, #tpu.memory_space<hbm>> -> memref<1x1x8192xi32, #tpu.memory_space<hbm>>
      %dma_wait3A_37 = tpu.memref_squeeze %dma_wait3A_36 : memref<1x1x8192xi32, #tpu.memory_space<hbm>> -> memref<8192xi32, #tpu.memory_space<hbm>>
      tpu.wait_dma2 semaphore(%arg13 : memref<!tpu.dma_semaphore, #tpu.memory_space<semaphore_mem>>) src(%dma_wait3A_37 : memref<8192xi32, #tpu.memory_space<hbm>>) dst(%arg9 : memref<8192xi32, #tpu.memory_space<vmem>>)
      %dma_wait3A_38 = arith.constant 0 : i32
      %dma_wait3A_39 = arith.constant 0 : i32
      %dma_wait3A_40 = tpu.memref_slice %arg4[%arg0, %dma_wait3A_38, %dma_wait3A_39] : memref<2x1x163840xi32, #tpu.memory_space<hbm>> -> memref<1x1x8192xi32, #tpu.memory_space<hbm>>
      %dma_wait3A_41 = tpu.memref_squeeze %dma_wait3A_40 : memref<1x1x8192xi32, #tpu.memory_space<hbm>> -> memref<8192xi32, #tpu.memory_space<hbm>>
      %dma_wait3A_42 = arith.constant 0 : i32
      %dma_wait3A_43 = tpu.memref_slice %arg4[%arg0, %dma_wait3A_38, %dma_wait3A_42] : memref<2x1x163840xi32, #tpu.memory_space<hbm>> -> memref<1x1x8192xi32, #tpu.memory_space<hbm>>
      %dma_wait3A_44 = tpu.memref_squeeze %dma_wait3A_43 : memref<1x1x8192xi32, #tpu.memory_space<hbm>> -> memref<8192xi32, #tpu.memory_space<hbm>>
      tpu.wait_dma2 semaphore(%arg14 : memref<!tpu.dma_semaphore, #tpu.memory_space<semaphore_mem>>) src(%dma_wait3A_44 : memref<8192xi32, #tpu.memory_space<hbm>>) dst(%arg10 : memref<8192xi32, #tpu.memory_space<vmem>>)
      %add3A = arith.constant 1 : i32
      %add3A_45 = arith.addi %mul3A_30, %add3A : i32
      %min3A = arith.constant 19 : i32
      %min3A_46 = arith.minsi %add3A_45, %min3A : i32
      %mul3A_47 = arith.constant 8192 : i32
      %mul3A_48 = arith.muli %min3A_46, %mul3A_47 : i32
      %multiple_of3A_49 = tpu.assume_multiple %mul3A_48, 128 : i32
      %dma_start3A_50 = arith.constant 0 : i32
      %dma_start3A_51 = tpu.memref_slice %arg3[%arg0, %dma_start3A_50, %multiple_of3A_49] : memref<2x1x163840xi32, #tpu.memory_space<hbm>> -> memref<1x1x8192xi32, #tpu.memory_space<hbm>>
      %dma_start3A_52 = tpu.memref_squeeze %dma_start3A_51 : memref<1x1x8192xi32, #tpu.memory_space<hbm>> -> memref<8192xi32, #tpu.memory_space<hbm>>
      %dma_start3A_53 = tpu.memref_slice %arg3[%arg0, %dma_start3A_50, %multiple_of3A_49] : memref<2x1x163840xi32, #tpu.memory_space<hbm>> -> memref<1x1x8192xi32, #tpu.memory_space<hbm>>
      %dma_start3A_54 = tpu.memref_squeeze %dma_start3A_53 : memref<1x1x8192xi32, #tpu.memory_space<hbm>> -> memref<8192xi32, #tpu.memory_space<hbm>>
      tpu.enqueue_dma source(%dma_start3A_54 : memref<8192xi32, #tpu.memory_space<hbm>>) target(%arg11 : memref<8192xi32, #tpu.memory_space<vmem>>) target_semaphore(%arg15 : memref<!tpu.dma_semaphore, #tpu.memory_space<semaphore_mem>>)
      %dma_start3A_55 = arith.constant 0 : i32
      %dma_start3A_56 = tpu.memref_slice %arg4[%arg0, %dma_start3A_55, %multiple_of3A_49] : memref<2x1x163840xi32, #tpu.memory_space<hbm>> -> memref<1x1x8192xi32, #tpu.memory_space<hbm>>
      %dma_start3A_57 = tpu.memref_squeeze %dma_start3A_56 : memref<1x1x8192xi32, #tpu.memory_space<hbm>> -> memref<8192xi32, #tpu.memory_space<hbm>>
      %dma_start3A_58 = tpu.memref_slice %arg4[%arg0, %dma_start3A_55, %multiple_of3A_49] : memref<2x1x163840xi32, #tpu.memory_space<hbm>> -> memref<1x1x8192xi32, #tpu.memory_space<hbm>>
      %dma_start3A_59 = tpu.memref_squeeze %dma_start3A_58 : memref<1x1x8192xi32, #tpu.memory_space<hbm>> -> memref<8192xi32, #tpu.memory_space<hbm>>
      tpu.enqueue_dma source(%dma_start3A_59 : memref<8192xi32, #tpu.memory_space<hbm>>) target(%arg12 : memref<8192xi32, #tpu.memory_space<vmem>>) target_semaphore(%arg16 : memref<!tpu.dma_semaphore, #tpu.memory_space<semaphore_mem>>)
      %scan3A_60 = arith.constant 0 : i32
      %scan3A_61 = arith.constant 0 : i32
      %scan3A_62 = arith.constant 128 : i32
      %scan3A_63 = arith.addi %scan3A_61, %scan3A_62 : i32
      %scan3A_64 = arith.constant 1 : i32
      scf.for %scan3A_103 = %scan3A_61 to %scan3A_63 step %scan3A_64  : i32 {
        %mul3A_104 = arith.constant 4 : i32
        %mul3A_105 = arith.muli %scan3A_103, %mul3A_104 : i32
        %add3A_106 = arith.constant 0 : i32
        %add3A_107 = arith.addi %mul3A_105, %add3A_106 : i32
        %mul3A_108 = arith.constant 16 : i32
        %mul3A_109 = arith.muli %add3A_107, %mul3A_108 : i32
        %get3A = arith.index_cast %mul3A_109 : i32 to index
        %get3A_110 = tpu.vector_load %arg9[%get3A] {strides = array<i32>} : memref<8192xi32, #tpu.memory_space<vmem>>, vector<16xi32>,
        %get3A_111 = arith.index_cast %mul3A_109 : i32 to index
        %get3A_112 = tpu.vector_load %arg10[%get3A_111] {strides = array<i32>} : memref<8192xi32, #tpu.memory_space<vmem>>, vector<16xi32>,
        %gather3A = tpu.vector_load_idx %arg7[%get3A_110] : memref<40064xf32, #tpu.memory_space<vmem>>[vector<16xi32>], vector<16xf32>,
        %add3A_113 = arith.constant 10016 : i32
        %add3A_114 = vector.broadcast %add3A_113 : i32 to vector<16xi32>
        %add3A_115 = arith.addi %get3A_110, %add3A_114 : vector<16xi32>
        %add3A_116 = arith.constant 10016 : i32
        %add3A_117 = vector.broadcast %add3A_116 : i32 to vector<16xi32>
        %add3A_118 = arith.addi %get3A_112, %add3A_117 : vector<16xi32>
        %gather3A_119 = tpu.vector_load_idx %arg7[%add3A_115] : memref<40064xf32, #tpu.memory_space<vmem>>[vector<16xi32>], vector<16xf32>,
        %add3A_120 = arith.constant 20032 : i32
        %add3A_121 = vector.broadcast %add3A_120 : i32 to vector<16xi32>
        %add3A_122 = arith.addi %get3A_110, %add3A_121 : vector<16xi32>
        %add3A_123 = arith.constant 20032 : i32
        %add3A_124 = vector.broadcast %add3A_123 : i32 to vector<16xi32>
        %add3A_125 = arith.addi %get3A_112, %add3A_124 : vector<16xi32>
        %gather3A_126 = tpu.vector_load_idx %arg7[%add3A_122] : memref<40064xf32, #tpu.memory_space<vmem>>[vector<16xi32>], vector<16xf32>,
        %add3A_127 = arith.constant 30048 : i32
        %add3A_128 = vector.broadcast %add3A_127 : i32 to vector<16xi32>
        %add3A_129 = arith.addi %get3A_110, %add3A_128 : vector<16xi32>
        %add3A_130 = arith.constant 30048 : i32
        %add3A_131 = vector.broadcast %add3A_130 : i32 to vector<16xi32>
        %add3A_132 = arith.addi %get3A_112, %add3A_131 : vector<16xi32>
        %gather3A_133 = tpu.vector_load_idx %arg7[%add3A_129] : memref<40064xf32, #tpu.memory_space<vmem>>[vector<16xi32>], vector<16xf32>,
        %mul3A_134 = arith.constant 4 : i32
        %mul3A_135 = arith.muli %scan3A_103, %mul3A_134 : i32
        %add3A_136 = arith.constant 1 : i32
        %add3A_137 = arith.addi %mul3A_135, %add3A_136 : i32
        %mul3A_138 = arith.constant 16 : i32
        %mul3A_139 = arith.muli %add3A_137, %mul3A_138 : i32
        %get3A_140 = arith.index_cast %mul3A_139 : i32 to index
        %get3A_141 = tpu.vector_load %arg9[%get3A_140] {strides = array<i32>} : memref<8192xi32, #tpu.memory_space<vmem>>, vector<16xi32>,
        %get3A_142 = arith.index_cast %mul3A_139 : i32 to index
        %get3A_143 = tpu.vector_load %arg10[%get3A_142] {strides = array<i32>} : memref<8192xi32, #tpu.memory_space<vmem>>, vector<16xi32>,
        %gather3A_144 = tpu.vector_load_idx %arg7[%get3A_141] : memref<40064xf32, #tpu.memory_space<vmem>>[vector<16xi32>], vector<16xf32>,
        %add3A_145 = arith.constant 10016 : i32
        %add3A_146 = vector.broadcast %add3A_145 : i32 to vector<16xi32>
        %add3A_147 = arith.addi %get3A_141, %add3A_146 : vector<16xi32>
        %add3A_148 = arith.constant 10016 : i32
        %add3A_149 = vector.broadcast %add3A_148 : i32 to vector<16xi32>
        %add3A_150 = arith.addi %get3A_143, %add3A_149 : vector<16xi32>
        %gather3A_151 = tpu.vector_load_idx %arg7[%add3A_147] : memref<40064xf32, #tpu.memory_space<vmem>>[vector<16xi32>], vector<16xf32>,
        %add3A_152 = arith.constant 20032 : i32
        %add3A_153 = vector.broadcast %add3A_152 : i32 to vector<16xi32>
        %add3A_154 = arith.addi %get3A_141, %add3A_153 : vector<16xi32>
        %add3A_155 = arith.constant 20032 : i32
        %add3A_156 = vector.broadcast %add3A_155 : i32 to vector<16xi32>
        %add3A_157 = arith.addi %get3A_143, %add3A_156 : vector<16xi32>
        %gather3A_158 = tpu.vector_load_idx %arg7[%add3A_154] : memref<40064xf32, #tpu.memory_space<vmem>>[vector<16xi32>], vector<16xf32>,
        %add3A_159 = arith.constant 30048 : i32
        %add3A_160 = vector.broadcast %add3A_159 : i32 to vector<16xi32>
        %add3A_161 = arith.addi %get3A_141, %add3A_160 : vector<16xi32>
        %add3A_162 = arith.constant 30048 : i32
        %add3A_163 = vector.broadcast %add3A_162 : i32 to vector<16xi32>
        %add3A_164 = arith.addi %get3A_143, %add3A_163 : vector<16xi32>
        %gather3A_165 = tpu.vector_load_idx %arg7[%add3A_161] : memref<40064xf32, #tpu.memory_space<vmem>>[vector<16xi32>], vector<16xf32>,
        %mul3A_166 = arith.constant 4 : i32
        %mul3A_167 = arith.muli %scan3A_103, %mul3A_166 : i32
        %add3A_168 = arith.constant 2 : i32
        %add3A_169 = arith.addi %mul3A_167, %add3A_168 : i32
        %mul3A_170 = arith.constant 16 : i32
        %mul3A_171 = arith.muli %add3A_169, %mul3A_170 : i32
        %get3A_172 = arith.index_cast %mul3A_171 : i32 to index
        %get3A_173 = tpu.vector_load %arg9[%get3A_172] {strides = array<i32>} : memref<8192xi32, #tpu.memory_space<vmem>>, vector<16xi32>,
        %get3A_174 = arith.index_cast %mul3A_171 : i32 to index
        %get3A_175 = tpu.vector_load %arg10[%get3A_174] {strides = array<i32>} : memref<8192xi32, #tpu.memory_space<vmem>>, vector<16xi32>,
        %gather3A_176 = tpu.vector_load_idx %arg7[%get3A_173] : memref<40064xf32, #tpu.memory_space<vmem>>[vector<16xi32>], vector<16xf32>,
        %add3A_177 = arith.constant 10016 : i32
        %add3A_178 = vector.broadcast %add3A_177 : i32 to vector<16xi32>
        %add3A_179 = arith.addi %get3A_173, %add3A_178 : vector<16xi32>
        %add3A_180 = arith.constant 10016 : i32
        %add3A_181 = vector.broadcast %add3A_180 : i32 to vector<16xi32>
        %add3A_182 = arith.addi %get3A_175, %add3A_181 : vector<16xi32>
        %gather3A_183 = tpu.vector_load_idx %arg7[%add3A_179] : memref<40064xf32, #tpu.memory_space<vmem>>[vector<16xi32>], vector<16xf32>,
        %add3A_184 = arith.constant 20032 : i32
        %add3A_185 = vector.broadcast %add3A_184 : i32 to vector<16xi32>
        %add3A_186 = arith.addi %get3A_173, %add3A_185 : vector<16xi32>
        %add3A_187 = arith.constant 20032 : i32
        %add3A_188 = vector.broadcast %add3A_187 : i32 to vector<16xi32>
        %add3A_189 = arith.addi %get3A_175, %add3A_188 : vector<16xi32>
        %gather3A_190 = tpu.vector_load_idx %arg7[%add3A_186] : memref<40064xf32, #tpu.memory_space<vmem>>[vector<16xi32>], vector<16xf32>,
        %add3A_191 = arith.constant 30048 : i32
        %add3A_192 = vector.broadcast %add3A_191 : i32 to vector<16xi32>
        %add3A_193 = arith.addi %get3A_173, %add3A_192 : vector<16xi32>
        %add3A_194 = arith.constant 30048 : i32
        %add3A_195 = vector.broadcast %add3A_194 : i32 to vector<16xi32>
        %add3A_196 = arith.addi %get3A_175, %add3A_195 : vector<16xi32>
        %gather3A_197 = tpu.vector_load_idx %arg7[%add3A_193] : memref<40064xf32, #tpu.memory_space<vmem>>[vector<16xi32>], vector<16xf32>,
        %mul3A_198 = arith.constant 4 : i32
        %mul3A_199 = arith.muli %scan3A_103, %mul3A_198 : i32
        %add3A_200 = arith.constant 3 : i32
        %add3A_201 = arith.addi %mul3A_199, %add3A_200 : i32
        %mul3A_202 = arith.constant 16 : i32
        %mul3A_203 = arith.muli %add3A_201, %mul3A_202 : i32
        %get3A_204 = arith.index_cast %mul3A_203 : i32 to index
        %get3A_205 = tpu.vector_load %arg9[%get3A_204] {strides = array<i32>} : memref<8192xi32, #tpu.memory_space<vmem>>, vector<16xi32>,
        %get3A_206 = arith.index_cast %mul3A_203 : i32 to index
        %get3A_207 = tpu.vector_load %arg10[%get3A_206] {strides = array<i32>} : memref<8192xi32, #tpu.memory_space<vmem>>, vector<16xi32>,
        %gather3A_208 = tpu.vector_load_idx %arg7[%get3A_205] : memref<40064xf32, #tpu.memory_space<vmem>>[vector<16xi32>], vector<16xf32>,
        %add3A_209 = arith.constant 10016 : i32
        %add3A_210 = vector.broadcast %add3A_209 : i32 to vector<16xi32>
        %add3A_211 = arith.addi %get3A_205, %add3A_210 : vector<16xi32>
        %add3A_212 = arith.constant 10016 : i32
        %add3A_213 = vector.broadcast %add3A_212 : i32 to vector<16xi32>
        %add3A_214 = arith.addi %get3A_207, %add3A_213 : vector<16xi32>
        %gather3A_215 = tpu.vector_load_idx %arg7[%add3A_211] : memref<40064xf32, #tpu.memory_space<vmem>>[vector<16xi32>], vector<16xf32>,
        %add3A_216 = arith.constant 20032 : i32
        %add3A_217 = vector.broadcast %add3A_216 : i32 to vector<16xi32>
        %add3A_218 = arith.addi %get3A_205, %add3A_217 : vector<16xi32>
        %add3A_219 = arith.constant 20032 : i32
        %add3A_220 = vector.broadcast %add3A_219 : i32 to vector<16xi32>
        %add3A_221 = arith.addi %get3A_207, %add3A_220 : vector<16xi32>
        %gather3A_222 = tpu.vector_load_idx %arg7[%add3A_218] : memref<40064xf32, #tpu.memory_space<vmem>>[vector<16xi32>], vector<16xf32>,
        %add3A_223 = arith.constant 30048 : i32
        %add3A_224 = vector.broadcast %add3A_223 : i32 to vector<16xi32>
        %add3A_225 = arith.addi %get3A_205, %add3A_224 : vector<16xi32>
        %add3A_226 = arith.constant 30048 : i32
        %add3A_227 = vector.broadcast %add3A_226 : i32 to vector<16xi32>
        %add3A_228 = arith.addi %get3A_207, %add3A_227 : vector<16xi32>
        %gather3A_229 = tpu.vector_load_idx %arg7[%add3A_225] : memref<40064xf32, #tpu.memory_space<vmem>>[vector<16xi32>], vector<16xf32>,
        tpu.vector_store_idx %arg8[%get3A_112], %gather3A {add = true} : memref<40064xf32, #tpu.memory_space<vmem>>[vector<16xi32>], vector<16xf32>,
        tpu.vector_store_idx %arg8[%add3A_118], %gather3A_119 {add = true} : memref<40064xf32, #tpu.memory_space<vmem>>[vector<16xi32>], vector<16xf32>,
        tpu.vector_store_idx %arg8[%add3A_125], %gather3A_126 {add = true} : memref<40064xf32, #tpu.memory_space<vmem>>[vector<16xi32>], vector<16xf32>,
        tpu.vector_store_idx %arg8[%add3A_132], %gather3A_133 {add = true} : memref<40064xf32, #tpu.memory_space<vmem>>[vector<16xi32>], vector<16xf32>,
        tpu.vector_store_idx %arg8[%get3A_143], %gather3A_144 {add = true} : memref<40064xf32, #tpu.memory_space<vmem>>[vector<16xi32>], vector<16xf32>,
        tpu.vector_store_idx %arg8[%add3A_150], %gather3A_151 {add = true} : memref<40064xf32, #tpu.memory_space<vmem>>[vector<16xi32>], vector<16xf32>,
        tpu.vector_store_idx %arg8[%add3A_157], %gather3A_158 {add = true} : memref<40064xf32, #tpu.memory_space<vmem>>[vector<16xi32>], vector<16xf32>,
        tpu.vector_store_idx %arg8[%add3A_164], %gather3A_165 {add = true} : memref<40064xf32, #tpu.memory_space<vmem>>[vector<16xi32>], vector<16xf32>,
        tpu.vector_store_idx %arg8[%get3A_175], %gather3A_176 {add = true} : memref<40064xf32, #tpu.memory_space<vmem>>[vector<16xi32>], vector<16xf32>,
        tpu.vector_store_idx %arg8[%add3A_182], %gather3A_183 {add = true} : memref<40064xf32, #tpu.memory_space<vmem>>[vector<16xi32>], vector<16xf32>,
        tpu.vector_store_idx %arg8[%add3A_189], %gather3A_190 {add = true} : memref<40064xf32, #tpu.memory_space<vmem>>[vector<16xi32>], vector<16xf32>,
        tpu.vector_store_idx %arg8[%add3A_196], %gather3A_197 {add = true} : memref<40064xf32, #tpu.memory_space<vmem>>[vector<16xi32>], vector<16xf32>,
        tpu.vector_store_idx %arg8[%get3A_207], %gather3A_208 {add = true} : memref<40064xf32, #tpu.memory_space<vmem>>[vector<16xi32>], vector<16xf32>,
        tpu.vector_store_idx %arg8[%add3A_214], %gather3A_215 {add = true} : memref<40064xf32, #tpu.memory_space<vmem>>[vector<16xi32>], vector<16xf32>,
        tpu.vector_store_idx %arg8[%add3A_221], %gather3A_222 {add = true} : memref<40064xf32, #tpu.memory_space<vmem>>[vector<16xi32>], vector<16xf32>,
        tpu.vector_store_idx %arg8[%add3A_228], %gather3A_229 {add = true} : memref<40064xf32, #tpu.memory_space<vmem>>[vector<16xi32>], vector<16xf32>,
      }
      %scan3A_65 = arith.constant 128 : i32
      %dma_wait3A_66 = arith.constant 0 : i32
      %dma_wait3A_67 = arith.constant 0 : i32
      %dma_wait3A_68 = tpu.memref_slice %arg3[%arg0, %dma_wait3A_66, %dma_wait3A_67] : memref<2x1x163840xi32, #tpu.memory_space<hbm>> -> memref<1x1x8192xi32, #tpu.memory_space<hbm>>
      %dma_wait3A_69 = tpu.memref_squeeze %dma_wait3A_68 : memref<1x1x8192xi32, #tpu.memory_space<hbm>> -> memref<8192xi32, #tpu.memory_space<hbm>>
      %dma_wait3A_70 = arith.constant 0 : i32
      %dma_wait3A_71 = tpu.memref_slice %arg3[%arg0, %dma_wait3A_66, %dma_wait3A_70] : memref<2x1x163840xi32, #tpu.memory_space<hbm>> -> memref<1x1x8192xi32, #tpu.memory_space<hbm>>
      %dma_wait3A_72 = tpu.memref_squeeze %dma_wait3A_71 : memref<1x1x8192xi32, #tpu.memory_space<hbm>> -> memref<8192xi32, #tpu.memory_space<hbm>>
      tpu.wait_dma2 semaphore(%arg15 : memref<!tpu.dma_semaphore, #tpu.memory_space<semaphore_mem>>) src(%dma_wait3A_72 : memref<8192xi32, #tpu.memory_space<hbm>>) dst(%arg11 : memref<8192xi32, #tpu.memory_space<vmem>>)
      %dma_wait3A_73 = arith.constant 0 : i32
      %dma_wait3A_74 = arith.constant 0 : i32
      %dma_wait3A_75 = tpu.memref_slice %arg4[%arg0, %dma_wait3A_73, %dma_wait3A_74] : memref<2x1x163840xi32, #tpu.memory_space<hbm>> -> memref<1x1x8192xi32, #tpu.memory_space<hbm>>
      %dma_wait3A_76 = tpu.memref_squeeze %dma_wait3A_75 : memref<1x1x8192xi32, #tpu.memory_space<hbm>> -> memref<8192xi32, #tpu.memory_space<hbm>>
      %dma_wait3A_77 = arith.constant 0 : i32
      %dma_wait3A_78 = tpu.memref_slice %arg4[%arg0, %dma_wait3A_73, %dma_wait3A_77] : memref<2x1x163840xi32, #tpu.memory_space<hbm>> -> memref<1x1x8192xi32, #tpu.memory_space<hbm>>
      %dma_wait3A_79 = tpu.memref_squeeze %dma_wait3A_78 : memref<1x1x8192xi32, #tpu.memory_space<hbm>> -> memref<8192xi32, #tpu.memory_space<hbm>>
      tpu.wait_dma2 semaphore(%arg16 : memref<!tpu.dma_semaphore, #tpu.memory_space<semaphore_mem>>) src(%dma_wait3A_79 : memref<8192xi32, #tpu.memory_space<hbm>>) dst(%arg12 : memref<8192xi32, #tpu.memory_space<vmem>>)
      %add3A_80 = arith.constant 2 : i32
      %add3A_81 = arith.addi %mul3A_30, %add3A_80 : i32
      %min3A_82 = arith.constant 19 : i32
      %min3A_83 = arith.minsi %add3A_81, %min3A_82 : i32
      %mul3A_84 = arith.constant 8192 : i32
      %mul3A_85 = arith.muli %min3A_83, %mul3A_84 : i32
      %multiple_of3A_86 = tpu.assume_multiple %mul3A_85, 128 : i32
      %dma_start3A_87 = arith.constant 0 : i32
      %dma_start3A_88 = tpu.memref_slice %arg3[%arg0, %dma_start3A_87, %multiple_of3A_86] : memref<2x1x163840xi32, #tpu.memory_space<hbm>> -> memref<1x1x8192xi32, #tpu.memory_space<hbm>>
      %dma_start3A_89 = tpu.memref_squeeze %dma_start3A_88 : memref<1x1x8192xi32, #tpu.memory_space<hbm>> -> memref<8192xi32, #tpu.memory_space<hbm>>
      %dma_start3A_90 = tpu.memref_slice %arg3[%arg0, %dma_start3A_87, %multiple_of3A_86] : memref<2x1x163840xi32, #tpu.memory_space<hbm>> -> memref<1x1x8192xi32, #tpu.memory_space<hbm>>
      %dma_start3A_91 = tpu.memref_squeeze %dma_start3A_90 : memref<1x1x8192xi32, #tpu.memory_space<hbm>> -> memref<8192xi32, #tpu.memory_space<hbm>>
      tpu.enqueue_dma source(%dma_start3A_91 : memref<8192xi32, #tpu.memory_space<hbm>>) target(%arg9 : memref<8192xi32, #tpu.memory_space<vmem>>) target_semaphore(%arg13 : memref<!tpu.dma_semaphore, #tpu.memory_space<semaphore_mem>>)
      %dma_start3A_92 = arith.constant 0 : i32
      %dma_start3A_93 = tpu.memref_slice %arg4[%arg0, %dma_start3A_92, %multiple_of3A_86] : memref<2x1x163840xi32, #tpu.memory_space<hbm>> -> memref<1x1x8192xi32, #tpu.memory_space<hbm>>
      %dma_start3A_94 = tpu.memref_squeeze %dma_start3A_93 : memref<1x1x8192xi32, #tpu.memory_space<hbm>> -> memref<8192xi32, #tpu.memory_space<hbm>>
      %dma_start3A_95 = tpu.memref_slice %arg4[%arg0, %dma_start3A_92, %multiple_of3A_86] : memref<2x1x163840xi32, #tpu.memory_space<hbm>> -> memref<1x1x8192xi32, #tpu.memory_space<hbm>>
      %dma_start3A_96 = tpu.memref_squeeze %dma_start3A_95 : memref<1x1x8192xi32, #tpu.memory_space<hbm>> -> memref<8192xi32, #tpu.memory_space<hbm>>
      tpu.enqueue_dma source(%dma_start3A_96 : memref<8192xi32, #tpu.memory_space<hbm>>) target(%arg10 : memref<8192xi32, #tpu.memory_space<vmem>>) target_semaphore(%arg14 : memref<!tpu.dma_semaphore, #tpu.memory_space<semaphore_mem>>)
      %scan3A_97 = arith.constant 0 : i32
      %scan3A_98 = arith.constant 0 : i32
      %scan3A_99 = arith.constant 128 : i32
      %scan3A_100 = arith.addi %scan3A_98, %scan3A_99 : i32
      %scan3A_101 = arith.constant 1 : i32
      scf.for %scan3A_103 = %scan3A_98 to %scan3A_100 step %scan3A_101  : i32 {
        %mul3A_104 = arith.constant 4 : i32
        %mul3A_105 = arith.muli %scan3A_103, %mul3A_104 : i32
        %add3A_106 = arith.constant 0 : i32
        %add3A_107 = arith.addi %mul3A_105, %add3A_106 : i32
        %mul3A_108 = arith.constant 16 : i32
        %mul3A_109 = arith.muli %add3A_107, %mul3A_108 : i32
        %get3A = arith.index_cast %mul3A_109 : i32 to index
        %get3A_110 = tpu.vector_load %arg11[%get3A] {strides = array<i32>} : memref<8192xi32, #tpu.memory_space<vmem>>, vector<16xi32>,
        %get3A_111 = arith.index_cast %mul3A_109 : i32 to index
        %get3A_112 = tpu.vector_load %arg12[%get3A_111] {strides = array<i32>} : memref<8192xi32, #tpu.memory_space<vmem>>, vector<16xi32>,
        %gather3A = tpu.vector_load_idx %arg7[%get3A_110] : memref<40064xf32, #tpu.memory_space<vmem>>[vector<16xi32>], vector<16xf32>,
        %add3A_113 = arith.constant 10016 : i32
        %add3A_114 = vector.broadcast %add3A_113 : i32 to vector<16xi32>
        %add3A_115 = arith.addi %get3A_110, %add3A_114 : vector<16xi32>
        %add3A_116 = arith.constant 10016 : i32
        %add3A_117 = vector.broadcast %add3A_116 : i32 to vector<16xi32>
        %add3A_118 = arith.addi %get3A_112, %add3A_117 : vector<16xi32>
        %gather3A_119 = tpu.vector_load_idx %arg7[%add3A_115] : memref<40064xf32, #tpu.memory_space<vmem>>[vector<16xi32>], vector<16xf32>,
        %add3A_120 = arith.constant 20032 : i32
        %add3A_121 = vector.broadcast %add3A_120 : i32 to vector<16xi32>
        %add3A_122 = arith.addi %get3A_110, %add3A_121 : vector<16xi32>
        %add3A_123 = arith.constant 20032 : i32
        %add3A_124 = vector.broadcast %add3A_123 : i32 to vector<16xi32>
        %add3A_125 = arith.addi %get3A_112, %add3A_124 : vector<16xi32>
        %gather3A_126 = tpu.vector_load_idx %arg7[%add3A_122] : memref<40064xf32, #tpu.memory_space<vmem>>[vector<16xi32>], vector<16xf32>,
        %add3A_127 = arith.constant 30048 : i32
        %add3A_128 = vector.broadcast %add3A_127 : i32 to vector<16xi32>
        %add3A_129 = arith.addi %get3A_110, %add3A_128 : vector<16xi32>
        %add3A_130 = arith.constant 30048 : i32
        %add3A_131 = vector.broadcast %add3A_130 : i32 to vector<16xi32>
        %add3A_132 = arith.addi %get3A_112, %add3A_131 : vector<16xi32>
        %gather3A_133 = tpu.vector_load_idx %arg7[%add3A_129] : memref<40064xf32, #tpu.memory_space<vmem>>[vector<16xi32>], vector<16xf32>,
        %mul3A_134 = arith.constant 4 : i32
        %mul3A_135 = arith.muli %scan3A_103, %mul3A_134 : i32
        %add3A_136 = arith.constant 1 : i32
        %add3A_137 = arith.addi %mul3A_135, %add3A_136 : i32
        %mul3A_138 = arith.constant 16 : i32
        %mul3A_139 = arith.muli %add3A_137, %mul3A_138 : i32
        %get3A_140 = arith.index_cast %mul3A_139 : i32 to index
        %get3A_141 = tpu.vector_load %arg11[%get3A_140] {strides = array<i32>} : memref<8192xi32, #tpu.memory_space<vmem>>, vector<16xi32>,
        %get3A_142 = arith.index_cast %mul3A_139 : i32 to index
        %get3A_143 = tpu.vector_load %arg12[%get3A_142] {strides = array<i32>} : memref<8192xi32, #tpu.memory_space<vmem>>, vector<16xi32>,
        %gather3A_144 = tpu.vector_load_idx %arg7[%get3A_141] : memref<40064xf32, #tpu.memory_space<vmem>>[vector<16xi32>], vector<16xf32>,
        %add3A_145 = arith.constant 10016 : i32
        %add3A_146 = vector.broadcast %add3A_145 : i32 to vector<16xi32>
        %add3A_147 = arith.addi %get3A_141, %add3A_146 : vector<16xi32>
        %add3A_148 = arith.constant 10016 : i32
        %add3A_149 = vector.broadcast %add3A_148 : i32 to vector<16xi32>
        %add3A_150 = arith.addi %get3A_143, %add3A_149 : vector<16xi32>
        %gather3A_151 = tpu.vector_load_idx %arg7[%add3A_147] : memref<40064xf32, #tpu.memory_space<vmem>>[vector<16xi32>], vector<16xf32>,
        %add3A_152 = arith.constant 20032 : i32
        %add3A_153 = vector.broadcast %add3A_152 : i32 to vector<16xi32>
        %add3A_154 = arith.addi %get3A_141, %add3A_153 : vector<16xi32>
        %add3A_155 = arith.constant 20032 : i32
        %add3A_156 = vector.broadcast %add3A_155 : i32 to vector<16xi32>
        %add3A_157 = arith.addi %get3A_143, %add3A_156 : vector<16xi32>
        %gather3A_158 = tpu.vector_load_idx %arg7[%add3A_154] : memref<40064xf32, #tpu.memory_space<vmem>>[vector<16xi32>], vector<16xf32>,
        %add3A_159 = arith.constant 30048 : i32
        %add3A_160 = vector.broadcast %add3A_159 : i32 to vector<16xi32>
        %add3A_161 = arith.addi %get3A_141, %add3A_160 : vector<16xi32>
        %add3A_162 = arith.constant 30048 : i32
        %add3A_163 = vector.broadcast %add3A_162 : i32 to vector<16xi32>
        %add3A_164 = arith.addi %get3A_143, %add3A_163 : vector<16xi32>
        %gather3A_165 = tpu.vector_load_idx %arg7[%add3A_161] : memref<40064xf32, #tpu.memory_space<vmem>>[vector<16xi32>], vector<16xf32>,
        %mul3A_166 = arith.constant 4 : i32
        %mul3A_167 = arith.muli %scan3A_103, %mul3A_166 : i32
        %add3A_168 = arith.constant 2 : i32
        %add3A_169 = arith.addi %mul3A_167, %add3A_168 : i32
        %mul3A_170 = arith.constant 16 : i32
        %mul3A_171 = arith.muli %add3A_169, %mul3A_170 : i32
        %get3A_172 = arith.index_cast %mul3A_171 : i32 to index
        %get3A_173 = tpu.vector_load %arg11[%get3A_172] {strides = array<i32>} : memref<8192xi32, #tpu.memory_space<vmem>>, vector<16xi32>,
        %get3A_174 = arith.index_cast %mul3A_171 : i32 to index
        %get3A_175 = tpu.vector_load %arg12[%get3A_174] {strides = array<i32>} : memref<8192xi32, #tpu.memory_space<vmem>>, vector<16xi32>,
        %gather3A_176 = tpu.vector_load_idx %arg7[%get3A_173] : memref<40064xf32, #tpu.memory_space<vmem>>[vector<16xi32>], vector<16xf32>,
        %add3A_177 = arith.constant 10016 : i32
        %add3A_178 = vector.broadcast %add3A_177 : i32 to vector<16xi32>
        %add3A_179 = arith.addi %get3A_173, %add3A_178 : vector<16xi32>
        %add3A_180 = arith.constant 10016 : i32
        %add3A_181 = vector.broadcast %add3A_180 : i32 to vector<16xi32>
        %add3A_182 = arith.addi %get3A_175, %add3A_181 : vector<16xi32>
        %gather3A_183 = tpu.vector_load_idx %arg7[%add3A_179] : memref<40064xf32, #tpu.memory_space<vmem>>[vector<16xi32>], vector<16xf32>,
        %add3A_184 = arith.constant 20032 : i32
        %add3A_185 = vector.broadcast %add3A_184 : i32 to vector<16xi32>
        %add3A_186 = arith.addi %get3A_173, %add3A_185 : vector<16xi32>
        %add3A_187 = arith.constant 20032 : i32
        %add3A_188 = vector.broadcast %add3A_187 : i32 to vector<16xi32>
        %add3A_189 = arith.addi %get3A_175, %add3A_188 : vector<16xi32>
        %gather3A_190 = tpu.vector_load_idx %arg7[%add3A_186] : memref<40064xf32, #tpu.memory_space<vmem>>[vector<16xi32>], vector<16xf32>,
        %add3A_191 = arith.constant 30048 : i32
        %add3A_192 = vector.broadcast %add3A_191 : i32 to vector<16xi32>
        %add3A_193 = arith.addi %get3A_173, %add3A_192 : vector<16xi32>
        %add3A_194 = arith.constant 30048 : i32
        %add3A_195 = vector.broadcast %add3A_194 : i32 to vector<16xi32>
        %add3A_196 = arith.addi %get3A_175, %add3A_195 : vector<16xi32>
        %gather3A_197 = tpu.vector_load_idx %arg7[%add3A_193] : memref<40064xf32, #tpu.memory_space<vmem>>[vector<16xi32>], vector<16xf32>,
        %mul3A_198 = arith.constant 4 : i32
        %mul3A_199 = arith.muli %scan3A_103, %mul3A_198 : i32
        %add3A_200 = arith.constant 3 : i32
        %add3A_201 = arith.addi %mul3A_199, %add3A_200 : i32
        %mul3A_202 = arith.constant 16 : i32
        %mul3A_203 = arith.muli %add3A_201, %mul3A_202 : i32
        %get3A_204 = arith.index_cast %mul3A_203 : i32 to index
        %get3A_205 = tpu.vector_load %arg11[%get3A_204] {strides = array<i32>} : memref<8192xi32, #tpu.memory_space<vmem>>, vector<16xi32>,
        %get3A_206 = arith.index_cast %mul3A_203 : i32 to index
        %get3A_207 = tpu.vector_load %arg12[%get3A_206] {strides = array<i32>} : memref<8192xi32, #tpu.memory_space<vmem>>, vector<16xi32>,
        %gather3A_208 = tpu.vector_load_idx %arg7[%get3A_205] : memref<40064xf32, #tpu.memory_space<vmem>>[vector<16xi32>], vector<16xf32>,
        %add3A_209 = arith.constant 10016 : i32
        %add3A_210 = vector.broadcast %add3A_209 : i32 to vector<16xi32>
        %add3A_211 = arith.addi %get3A_205, %add3A_210 : vector<16xi32>
        %add3A_212 = arith.constant 10016 : i32
        %add3A_213 = vector.broadcast %add3A_212 : i32 to vector<16xi32>
        %add3A_214 = arith.addi %get3A_207, %add3A_213 : vector<16xi32>
        %gather3A_215 = tpu.vector_load_idx %arg7[%add3A_211] : memref<40064xf32, #tpu.memory_space<vmem>>[vector<16xi32>], vector<16xf32>,
        %add3A_216 = arith.constant 20032 : i32
        %add3A_217 = vector.broadcast %add3A_216 : i32 to vector<16xi32>
        %add3A_218 = arith.addi %get3A_205, %add3A_217 : vector<16xi32>
        %add3A_219 = arith.constant 20032 : i32
        %add3A_220 = vector.broadcast %add3A_219 : i32 to vector<16xi32>
        %add3A_221 = arith.addi %get3A_207, %add3A_220 : vector<16xi32>
        %gather3A_222 = tpu.vector_load_idx %arg7[%add3A_218] : memref<40064xf32, #tpu.memory_space<vmem>>[vector<16xi32>], vector<16xf32>,
        %add3A_223 = arith.constant 30048 : i32
        %add3A_224 = vector.broadcast %add3A_223 : i32 to vector<16xi32>
        %add3A_225 = arith.addi %get3A_205, %add3A_224 : vector<16xi32>
        %add3A_226 = arith.constant 30048 : i32
        %add3A_227 = vector.broadcast %add3A_226 : i32 to vector<16xi32>
        %add3A_228 = arith.addi %get3A_207, %add3A_227 : vector<16xi32>
        %gather3A_229 = tpu.vector_load_idx %arg7[%add3A_225] : memref<40064xf32, #tpu.memory_space<vmem>>[vector<16xi32>], vector<16xf32>,
        tpu.vector_store_idx %arg8[%get3A_112], %gather3A {add = true} : memref<40064xf32, #tpu.memory_space<vmem>>[vector<16xi32>], vector<16xf32>,
        tpu.vector_store_idx %arg8[%add3A_118], %gather3A_119 {add = true} : memref<40064xf32, #tpu.memory_space<vmem>>[vector<16xi32>], vector<16xf32>,
        tpu.vector_store_idx %arg8[%add3A_125], %gather3A_126 {add = true} : memref<40064xf32, #tpu.memory_space<vmem>>[vector<16xi32>], vector<16xf32>,
        tpu.vector_store_idx %arg8[%add3A_132], %gather3A_133 {add = true} : memref<40064xf32, #tpu.memory_space<vmem>>[vector<16xi32>], vector<16xf32>,
        tpu.vector_store_idx %arg8[%get3A_143], %gather3A_144 {add = true} : memref<40064xf32, #tpu.memory_space<vmem>>[vector<16xi32>], vector<16xf32>,
        tpu.vector_store_idx %arg8[%add3A_150], %gather3A_151 {add = true} : memref<40064xf32, #tpu.memory_space<vmem>>[vector<16xi32>], vector<16xf32>,
        tpu.vector_store_idx %arg8[%add3A_157], %gather3A_158 {add = true} : memref<40064xf32, #tpu.memory_space<vmem>>[vector<16xi32>], vector<16xf32>,
        tpu.vector_store_idx %arg8[%add3A_164], %gather3A_165 {add = true} : memref<40064xf32, #tpu.memory_space<vmem>>[vector<16xi32>], vector<16xf32>,
        tpu.vector_store_idx %arg8[%get3A_175], %gather3A_176 {add = true} : memref<40064xf32, #tpu.memory_space<vmem>>[vector<16xi32>], vector<16xf32>,
        tpu.vector_store_idx %arg8[%add3A_182], %gather3A_183 {add = true} : memref<40064xf32, #tpu.memory_space<vmem>>[vector<16xi32>], vector<16xf32>,
        tpu.vector_store_idx %arg8[%add3A_189], %gather3A_190 {add = true} : memref<40064xf32, #tpu.memory_space<vmem>>[vector<16xi32>], vector<16xf32>,
        tpu.vector_store_idx %arg8[%add3A_196], %gather3A_197 {add = true} : memref<40064xf32, #tpu.memory_space<vmem>>[vector<16xi32>], vector<16xf32>,
        tpu.vector_store_idx %arg8[%get3A_207], %gather3A_208 {add = true} : memref<40064xf32, #tpu.memory_space<vmem>>[vector<16xi32>], vector<16xf32>,
        tpu.vector_store_idx %arg8[%add3A_214], %gather3A_215 {add = true} : memref<40064xf32, #tpu.memory_space<vmem>>[vector<16xi32>], vector<16xf32>,
        tpu.vector_store_idx %arg8[%add3A_221], %gather3A_222 {add = true} : memref<40064xf32, #tpu.memory_space<vmem>>[vector<16xi32>], vector<16xf32>,
        tpu.vector_store_idx %arg8[%add3A_228], %gather3A_229 {add = true} : memref<40064xf32, #tpu.memory_space<vmem>>[vector<16xi32>], vector<16xf32>,
      }
      %scan3A_102 = arith.constant 128 : i32
    }
    %scan3A_14 = arith.constant 10 : i32
    %dma_wait3A = arith.constant 0 : i32
    %dma_wait3A_15 = arith.constant 0 : i32
    %dma_wait3A_16 = tpu.memref_slice %arg3[%arg0, %dma_wait3A, %dma_wait3A_15] : memref<2x1x163840xi32, #tpu.memory_space<hbm>> -> memref<1x1x8192xi32, #tpu.memory_space<hbm>>
    %dma_wait3A_17 = tpu.memref_squeeze %dma_wait3A_16 : memref<1x1x8192xi32, #tpu.memory_space<hbm>> -> memref<8192xi32, #tpu.memory_space<hbm>>
    %dma_wait3A_18 = arith.constant 0 : i32
    %dma_wait3A_19 = tpu.memref_slice %arg3[%arg0, %dma_wait3A, %dma_wait3A_18] : memref<2x1x163840xi32, #tpu.memory_space<hbm>> -> memref<1x1x8192xi32, #tpu.memory_space<hbm>>
    %dma_wait3A_20 = tpu.memref_squeeze %dma_wait3A_19 : memref<1x1x8192xi32, #tpu.memory_space<hbm>> -> memref<8192xi32, #tpu.memory_space<hbm>>
    tpu.wait_dma2 semaphore(%arg13 : memref<!tpu.dma_semaphore, #tpu.memory_space<semaphore_mem>>) src(%dma_wait3A_20 : memref<8192xi32, #tpu.memory_space<hbm>>) dst(%arg9 : memref<8192xi32, #tpu.memory_space<vmem>>)
    %dma_wait3A_21 = arith.constant 0 : i32
    %dma_wait3A_22 = arith.constant 0 : i32
    %dma_wait3A_23 = tpu.memref_slice %arg4[%arg0, %dma_wait3A_21, %dma_wait3A_22] : memref<2x1x163840xi32, #tpu.memory_space<hbm>> -> memref<1x1x8192xi32, #tpu.memory_space<hbm>>
    %dma_wait3A_24 = tpu.memref_squeeze %dma_wait3A_23 : memref<1x1x8192xi32, #tpu.memory_space<hbm>> -> memref<8192xi32, #tpu.memory_space<hbm>>
    %dma_wait3A_25 = arith.constant 0 : i32
    %dma_wait3A_26 = tpu.memref_slice %arg4[%arg0, %dma_wait3A_21, %dma_wait3A_25] : memref<2x1x163840xi32, #tpu.memory_space<hbm>> -> memref<1x1x8192xi32, #tpu.memory_space<hbm>>
    %dma_wait3A_27 = tpu.memref_squeeze %dma_wait3A_26 : memref<1x1x8192xi32, #tpu.memory_space<hbm>> -> memref<8192xi32, #tpu.memory_space<hbm>>
    tpu.wait_dma2 semaphore(%arg14 : memref<!tpu.dma_semaphore, #tpu.memory_space<semaphore_mem>>) src(%dma_wait3A_27 : memref<8192xi32, #tpu.memory_space<hbm>>) dst(%arg10 : memref<8192xi32, #tpu.memory_space<vmem>>)
    %run_scoped3A_28 = arith.constant 0 : i32
    "tpu.region"() ({
      %run_scoped3A_29 = tpu.sem_alloc : memref<!tpu.dma_semaphore, #tpu.memory_space<semaphore_mem>>
      %dma_start3A_30 = arith.constant 0 : i32
      %dma_start3A_31 = tpu.memref_slice %arg6[%arg1, %arg0, %run_scoped3A_28, %dma_start3A_30] : memref<16x2x1x40064xf32, #tpu.memory_space<hbm>> -> memref<1x1x1x40064xf32, #tpu.memory_space<hbm>>
      %dma_start3A_32 = tpu.memref_squeeze %dma_start3A_31 : memref<1x1x1x40064xf32, #tpu.memory_space<hbm>> -> memref<40064xf32, #tpu.memory_space<hbm>>
      %dma_start3A_33 = arith.constant 0 : i32
      %dma_start3A_34 = tpu.memref_slice %arg6[%arg1, %arg0, %run_scoped3A_28, %dma_start3A_33] : memref<16x2x1x40064xf32, #tpu.memory_space<hbm>> -> memref<1x1x1x40064xf32, #tpu.memory_space<hbm>>
      %dma_start3A_35 = tpu.memref_squeeze %dma_start3A_34 : memref<1x1x1x40064xf32, #tpu.memory_space<hbm>> -> memref<40064xf32, #tpu.memory_space<hbm>>
      tpu.enqueue_dma source(%arg8 : memref<40064xf32, #tpu.memory_space<vmem>>) target(%dma_start3A_35 : memref<40064xf32, #tpu.memory_space<hbm>>) target_semaphore(%run_scoped3A_29 : memref<!tpu.dma_semaphore, #tpu.memory_space<semaphore_mem>>)
      %dma_wait3A_36 = arith.constant 0 : i32
      %dma_wait3A_37 = tpu.memref_slice %arg6[%arg1, %arg0, %run_scoped3A_28, %dma_wait3A_36] : memref<16x2x1x40064xf32, #tpu.memory_space<hbm>> -> memref<1x1x1x40064xf32, #tpu.memory_space<hbm>>
      %dma_wait3A_38 = tpu.memref_squeeze %dma_wait3A_37 : memref<1x1x1x40064xf32, #tpu.memory_space<hbm>> -> memref<40064xf32, #tpu.memory_space<hbm>>
      %dma_wait3A_39 = arith.constant 0 : i32
      %dma_wait3A_40 = tpu.memref_slice %arg6[%arg1, %arg0, %run_scoped3A_28, %dma_wait3A_39] : memref<16x2x1x40064xf32, #tpu.memory_space<hbm>> -> memref<1x1x1x40064xf32, #tpu.memory_space<hbm>>
      %dma_wait3A_41 = tpu.memref_squeeze %dma_wait3A_40 : memref<1x1x1x40064xf32, #tpu.memory_space<hbm>> -> memref<40064xf32, #tpu.memory_space<hbm>>
      tpu.wait_dma2 semaphore(%run_scoped3A_29 : memref<!tpu.dma_semaphore, #tpu.memory_space<semaphore_mem>>) src(%arg8 : memref<40064xf32, #tpu.memory_space<vmem>>) dst(%dma_wait3A_41 : memref<40064xf32, #tpu.memory_space<hbm>>)
      tpu.yield
    }) : () -> ()
    return
  }
}

module attributes {stable_mosaic.version = 14 : i64} {
  func.func @body(%arg0: memref<10000x128xf32, #tpu.memory_space<vmem>>, %arg1: memref<128x64xf32, #tpu.memory_space<vmem>>, %arg2: memref<10000x32xf32, #tpu.memory_space<vmem>>, %arg3: memref<64x10000xf32, #tpu.memory_space<vmem>>) attributes {dimension_semantics = [], scalar_prefetch = 0 : i64, scratch_operands = 0 : i64, tpu.core_type = #tpu.core_type<tc>} {
    %get3A = arith.constant 0 : index
    %get3A_0 = arith.constant 0 : index
    %get3A_1 = vector.load %arg2[%get3A, %get3A_0] : memref<10000x32xf32, #tpu.memory_space<vmem>>, vector<10000x32xf32>
    %reduce_sum3A = arith.constant dense<0.000000e+00> : vector<10000xf32>
    %reduce_sum3A_2 = vector.multi_reduction <add>, %get3A_1, %reduce_sum3A [1] : vector<10000x32xf32> to vector<10000xf32>
    %broadcast_in_dim3A = vector.shape_cast %reduce_sum3A_2 : vector<10000xf32> to vector<1x10000xf32>
    %add3A = arith.constant 1.000000e+00 : f32
    %add3A_3 = vector.broadcast %add3A : f32 to vector<1x10000xf32>
    %add3A_4 = arith.addf %broadcast_in_dim3A, %add3A_3 : vector<1x10000xf32>
    %sqrt3A = math.sqrt %add3A_4 : vector<1x10000xf32>
    %div3A = arith.constant 1.000000e+00 : f32
    %div3A_5 = vector.broadcast %div3A : f32 to vector<1x10000xf32>
    %div3A_6 = arith.divf %div3A_5, %sqrt3A : vector<1x10000xf32>
    %get3A_7 = arith.constant 0 : index
    %get3A_8 = arith.constant 0 : index
    %get3A_9 = vector.load %arg1[%get3A_7, %get3A_8] : memref<128x64xf32, #tpu.memory_space<vmem>>, vector<128x64xf32>
    %get3A_10 = arith.constant 0 : index
    %get3A_11 = arith.constant 0 : index
    %get3A_12 = vector.load %arg0[%get3A_10, %get3A_11] : memref<10000x128xf32, #tpu.memory_space<vmem>>, vector<10000x128xf32>
    %dot_general3A = arith.constant dense<0.000000e+00> : vector<64x10000xf32>
    %dot_general3A_13 = tpu.matmul %get3A_9, %get3A_12, %dot_general3A {dimension_numbers = #tpu.dot_dimension_numbers<[0], [1], [1], [0], [0, 1, 1, 0], [], []>, transpose_lhs_hint = false} : vector<128x64xf32>, vector<10000x128xf32>, vector<64x10000xf32> -> vector<64x10000xf32>
    %mul3A = vector.broadcast %div3A_6 : vector<1x10000xf32> to vector<64x10000xf32>
    %mul3A_14 = arith.mulf %dot_general3A_13, %mul3A : vector<64x10000xf32>
    %swap3A = arith.constant 0 : index
    %swap3A_15 = arith.constant 0 : index
    %swap3A_16 = vector.load %arg3[%swap3A, %swap3A_15] : memref<64x10000xf32, #tpu.memory_space<vmem>>, vector<64x10000xf32>
    tpu.vector_store %arg3[%swap3A, %swap3A_15], %mul3A_14 {strides = array<i32>} : memref<64x10000xf32, #tpu.memory_space<vmem>>, vector<64x10000xf32>,
    return
  }
}

module attributes {stable_mosaic.version = 14 : i64} {
  func.func @body(%arg0: memref<64x10000xf32, #tpu.memory_space<vmem>>, %arg1: memref<64x10000xf32, #tpu.memory_space<vmem>>, %arg2: memref<64x10000xf32, #tpu.memory_space<vmem>>, %arg3: memref<10000x32xf32, #tpu.memory_space<vmem>>, %arg4: memref<64x1xf32, #tpu.memory_space<vmem>>, %arg5: memref<64x64xf32, #tpu.memory_space<vmem>>, %arg6: memref<64x10000xf32, #tpu.memory_space<vmem>>) attributes {dimension_semantics = [], scalar_prefetch = 0 : i64, scratch_operands = 0 : i64, tpu.core_type = #tpu.core_type<tc>} {
    %get3A = arith.constant 0 : index
    %get3A_0 = arith.constant 0 : index
    %get3A_1 = vector.load %arg3[%get3A, %get3A_0] : memref<10000x32xf32, #tpu.memory_space<vmem>>, vector<10000x32xf32>
    %reduce_sum3A = arith.constant dense<0.000000e+00> : vector<10000xf32>
    %reduce_sum3A_2 = vector.multi_reduction <add>, %get3A_1, %reduce_sum3A [1] : vector<10000x32xf32> to vector<10000xf32>
    %broadcast_in_dim3A = vector.shape_cast %reduce_sum3A_2 : vector<10000xf32> to vector<1x10000xf32>
    %add3A = arith.constant 1.000000e+00 : f32
    %add3A_3 = vector.broadcast %add3A : f32 to vector<1x10000xf32>
    %add3A_4 = arith.addf %broadcast_in_dim3A, %add3A_3 : vector<1x10000xf32>
    %sqrt3A = math.sqrt %add3A_4 : vector<1x10000xf32>
    %div3A = arith.constant 1.000000e+00 : f32
    %div3A_5 = vector.broadcast %div3A : f32 to vector<1x10000xf32>
    %div3A_6 = arith.divf %div3A_5, %sqrt3A : vector<1x10000xf32>
    %get3A_7 = arith.constant 0 : index
    %get3A_8 = arith.constant 0 : index
    %get3A_9 = vector.load %arg0[%get3A_7, %get3A_8] : memref<64x10000xf32, #tpu.memory_space<vmem>>, vector<64x10000xf32>
    %get3A_10 = arith.constant 0 : index
    %get3A_11 = arith.constant 0 : index
    %get3A_12 = vector.load %arg1[%get3A_10, %get3A_11] : memref<64x10000xf32, #tpu.memory_space<vmem>>, vector<64x10000xf32>
    %add3A_13 = arith.addf %get3A_9, %get3A_12 : vector<64x10000xf32>
    %get3A_14 = arith.constant 0 : index
    %get3A_15 = arith.constant 0 : index
    %get3A_16 = vector.load %arg2[%get3A_14, %get3A_15] : memref<64x10000xf32, #tpu.memory_space<vmem>>, vector<64x10000xf32>
    %add3A_17 = arith.addf %add3A_13, %get3A_16 : vector<64x10000xf32>
    %mul3A = vector.broadcast %div3A_6 : vector<1x10000xf32> to vector<64x10000xf32>
    %mul3A_18 = arith.mulf %add3A_17, %mul3A : vector<64x10000xf32>
    %get3A_19 = arith.constant 0 : index
    %get3A_20 = arith.constant 0 : index
    %get3A_21 = vector.load %arg4[%get3A_19, %get3A_20] : memref<64x1xf32, #tpu.memory_space<vmem>>, vector<64x1xf32>
    %add3A_22 = vector.broadcast %get3A_21 : vector<64x1xf32> to vector<64x10000xf32>
    %add3A_23 = arith.addf %mul3A_18, %add3A_22 : vector<64x10000xf32>
    %max3A = arith.constant 0.000000e+00 : f32
    %max3A_24 = vector.broadcast %max3A : f32 to vector<64x10000xf32>
    %max3A_25 = arith.maximumf %add3A_23, %max3A_24 : vector<64x10000xf32>
    %get3A_26 = arith.constant 0 : index
    %get3A_27 = arith.constant 0 : index
    %get3A_28 = vector.load %arg5[%get3A_26, %get3A_27] : memref<64x64xf32, #tpu.memory_space<vmem>>, vector<64x64xf32>
    %dot_general3A = arith.constant dense<0.000000e+00> : vector<64x10000xf32>
    %dot_general3A_29 = tpu.matmul %get3A_28, %max3A_25, %dot_general3A {dimension_numbers = #tpu.dot_dimension_numbers<[0], [0], [1], [1], [0, 1, 1, 1], [], []>, transpose_lhs_hint = false} : vector<64x64xf32>, vector<64x10000xf32>, vector<64x10000xf32> -> vector<64x10000xf32>
    %mul3A_30 = vector.broadcast %div3A_6 : vector<1x10000xf32> to vector<64x10000xf32>
    %mul3A_31 = arith.mulf %dot_general3A_29, %mul3A_30 : vector<64x10000xf32>
    %swap3A = arith.constant 0 : index
    %swap3A_32 = arith.constant 0 : index
    %swap3A_33 = vector.load %arg6[%swap3A, %swap3A_32] : memref<64x10000xf32, #tpu.memory_space<vmem>>, vector<64x10000xf32>
    tpu.vector_store %arg6[%swap3A, %swap3A_32], %mul3A_31 {strides = array<i32>} : memref<64x10000xf32, #tpu.memory_space<vmem>>, vector<64x10000xf32>,
    return
  }
}

module attributes {stable_mosaic.version = 14 : i64} {
  func.func @body(%arg0: memref<64x10000xf32, #tpu.memory_space<vmem>>, %arg1: memref<64x10000xf32, #tpu.memory_space<vmem>>, %arg2: memref<64x10000xf32, #tpu.memory_space<vmem>>, %arg3: memref<10000x32xf32, #tpu.memory_space<vmem>>, %arg4: memref<64x1xf32, #tpu.memory_space<vmem>>, %arg5: memref<1x10000xi32, #tpu.memory_space<vmem>>, %arg6: memref<64x1xf32, #tpu.memory_space<vmem>>, %arg7: memref<1x1xf32, #tpu.memory_space<vmem>>, %arg8: memref<64x1xf32, #tpu.memory_space<vmem>>) attributes {dimension_semantics = [], scalar_prefetch = 0 : i64, scratch_operands = 0 : i64, tpu.core_type = #tpu.core_type<tc>} {
    %get3A = arith.constant 0 : index
    %get3A_0 = arith.constant 0 : index
    %get3A_1 = vector.load %arg3[%get3A, %get3A_0] : memref<10000x32xf32, #tpu.memory_space<vmem>>, vector<10000x32xf32>
    %reduce_sum3A = arith.constant dense<0.000000e+00> : vector<10000xf32>
    %reduce_sum3A_2 = vector.multi_reduction <add>, %get3A_1, %reduce_sum3A [1] : vector<10000x32xf32> to vector<10000xf32>
    %broadcast_in_dim3A = vector.shape_cast %reduce_sum3A_2 : vector<10000xf32> to vector<1x10000xf32>
    %add3A = arith.constant 1.000000e+00 : f32
    %add3A_3 = vector.broadcast %add3A : f32 to vector<1x10000xf32>
    %add3A_4 = arith.addf %broadcast_in_dim3A, %add3A_3 : vector<1x10000xf32>
    %sqrt3A = math.sqrt %add3A_4 : vector<1x10000xf32>
    %div3A = arith.constant 1.000000e+00 : f32
    %div3A_5 = vector.broadcast %div3A : f32 to vector<1x10000xf32>
    %div3A_6 = arith.divf %div3A_5, %sqrt3A : vector<1x10000xf32>
    %get3A_7 = arith.constant 0 : index
    %get3A_8 = arith.constant 0 : index
    %get3A_9 = vector.load %arg0[%get3A_7, %get3A_8] : memref<64x10000xf32, #tpu.memory_space<vmem>>, vector<64x10000xf32>
    %get3A_10 = arith.constant 0 : index
    %get3A_11 = arith.constant 0 : index
    %get3A_12 = vector.load %arg1[%get3A_10, %get3A_11] : memref<64x10000xf32, #tpu.memory_space<vmem>>, vector<64x10000xf32>
    %add3A_13 = arith.addf %get3A_9, %get3A_12 : vector<64x10000xf32>
    %get3A_14 = arith.constant 0 : index
    %get3A_15 = arith.constant 0 : index
    %get3A_16 = vector.load %arg2[%get3A_14, %get3A_15] : memref<64x10000xf32, #tpu.memory_space<vmem>>, vector<64x10000xf32>
    %add3A_17 = arith.addf %add3A_13, %get3A_16 : vector<64x10000xf32>
    %mul3A = vector.broadcast %div3A_6 : vector<1x10000xf32> to vector<64x10000xf32>
    %mul3A_18 = arith.mulf %add3A_17, %mul3A : vector<64x10000xf32>
    %get3A_19 = arith.constant 0 : index
    %get3A_20 = arith.constant 0 : index
    %get3A_21 = vector.load %arg4[%get3A_19, %get3A_20] : memref<64x1xf32, #tpu.memory_space<vmem>>, vector<64x1xf32>
    %add3A_22 = vector.broadcast %get3A_21 : vector<64x1xf32> to vector<64x10000xf32>
    %add3A_23 = arith.addf %mul3A_18, %add3A_22 : vector<64x10000xf32>
    %max3A = arith.constant 0.000000e+00 : f32
    %max3A_24 = vector.broadcast %max3A : f32 to vector<64x10000xf32>
    %max3A_25 = arith.maximumf %add3A_23, %max3A_24 : vector<64x10000xf32>
    %get3A_26 = arith.constant 0 : index
    %get3A_27 = arith.constant 0 : index
    %get3A_28 = vector.load %arg5[%get3A_26, %get3A_27] : memref<1x10000xi32, #tpu.memory_space<vmem>>, vector<1x10000xi32>
    %get3A_29 = vector.shape_cast %get3A_28 : vector<1x10000xi32> to vector<10000xi32>
    %broadcast_in_dim3A_30 = vector.shape_cast %get3A_29 : vector<10000xi32> to vector<10000x1xi32>
    %iota3A = tpu.iota {dimensions = array<i32: 1>} : vector<1x64xi32>
    %eq3A = vector.broadcast %broadcast_in_dim3A_30 : vector<10000x1xi32> to vector<10000x64xi32>
    %eq3A_31 = vector.broadcast %iota3A : vector<1x64xi32> to vector<10000x64xi32>
    %eq3A_32 = arith.cmpi eq, %eq3A, %eq3A_31 : vector<10000x64xi32>
    %convert_element_type3A = arith.extui %eq3A_32 : vector<10000x64xi1> to vector<10000x64xi32>
    %convert_element_type3A_33 = arith.sitofp %convert_element_type3A : vector<10000x64xi32> to vector<10000x64xf32>
    %dot_general3A = arith.constant dense<0.000000e+00> : vector<64x64xf32>
    %dot_general3A_34 = tpu.matmul %max3A_25, %convert_element_type3A_33, %dot_general3A {dimension_numbers = #tpu.dot_dimension_numbers<[1], [0], [0], [1], [0, 0, 1, 1], [], []>, transpose_lhs_hint = false} : vector<64x10000xf32>, vector<10000x64xf32>, vector<64x64xf32> -> vector<64x64xf32>
    %get3A_35 = arith.constant 0 : index
    %get3A_36 = arith.constant 0 : index
    %get3A_37 = vector.load %arg6[%get3A_35, %get3A_36] : memref<64x1xf32, #tpu.memory_space<vmem>>, vector<64x1xf32>
    %dot_general3A_38 = arith.constant dense<0.000000e+00> : vector<64x1xf32>
    %dot_general3A_39 = tpu.matmul %dot_general3A_34, %get3A_37, %dot_general3A_38 {dimension_numbers = #tpu.dot_dimension_numbers<[0], [0], [1], [1], [0, 1, 1, 1], [], []>, transpose_lhs_hint = false} : vector<64x64xf32>, vector<64x1xf32>, vector<64x1xf32> -> vector<64x1xf32>
    %get3A_40 = arith.constant 0 : index
    %get3A_41 = arith.constant 0 : index
    %get3A_42 = vector.load %arg7[%get3A_40, %get3A_41] : memref<1x1xf32, #tpu.memory_space<vmem>>, vector<1x1xf32>
    %add3A_43 = vector.broadcast %get3A_42 : vector<1x1xf32> to vector<64x1xf32>
    %add3A_44 = arith.addf %dot_general3A_39, %add3A_43 : vector<64x1xf32>
    %swap3A = arith.constant 0 : index
    %swap3A_45 = arith.constant 0 : index
    %swap3A_46 = vector.load %arg8[%swap3A, %swap3A_45] : memref<64x1xf32, #tpu.memory_space<vmem>>, vector<64x1xf32>
    tpu.vector_store %arg8[%swap3A, %swap3A_45], %add3A_44 {strides = array<i32>} : memref<64x1xf32, #tpu.memory_space<vmem>>, vector<64x1xf32>,
    return
  }
}

</mosaic_0001>

<sc_bundles>
// kernel: kernel.11.cloned.1.call-start
scs
__scs_entry_jumppad:
0x0: {  	(pc) =	sbr.rel $0x88, $3  }
0x1: {  	(tag) =	ssettag $0x0;
	lr =	simm.s32 $0x1  }
0x2: {  	[smem:$0x3F98] =	sst lr;
	_ =	strace $0xD0000000  }
0x3: {  	_ = 	snop  }
0x4: {  	_ = 	snop  }
0x5: {  	_ = 	snop  }
0x6: {  	_ = 	snop  }
0x7: {  	_ = 	snop  }
__scs_overlays_trampoline_lowered:
0x8: {  	[smem:$0x3FA7] =	sst s0  }
0x9: {  	[smem:$0x3FA8] =	sst s1  }
0xa: {  	[smem:$0x3FA9] =	sst s2  }
0xb: {  	[smem:$0x3FAA] =	sst s3  }
0xc: {  	[smem:$0x3FAB] =	sst s4  }
0xd: {  	[smem:$0x3FAC] =	sst s5  }
0xe: {  	[smem:$0x3FAD] =	sst s6  }
0xf: {  	[smem:$0x3FAE] =	sst s7  }
0x10: {  	[smem:$0x3FAF] =	sst s8  }
0x11: {  	[smem:$0x3FB0] =	sst s9;
	s0 =	simm.s32 @!p0 $0x0  }
0x12: {  	s1 =	sld [smem:$0x3F96];
	s0 =	simm.s32 @p0 $0x1  }
0x13: {  	[smem:$0x3FB1] =	sst s0;
	s0 =	simm.s32 @!p1 $0x0  }
0x14: {  	s2 =	sld [smem:$0x3F95];
	s0 =	simm.s32 @p1 $0x1  }
0x15: {  	[smem:$0x3FB2] =	sst s0;
	s0 =	simm.s32 @!p2 $0x0  }
0x16: {  	s3 =	sld [smem:$0x3FDB];
	s0 =	simm.s32 @p2 $0x1  }
0x17: {  	s4 =	simm.s32 $0x1BF5;
	[smem:$0x3FB4] =	sst s0  }
0x18: {  	s0 =	sld [smem:$0x3F97];
	_ =	swait.ge [sflag:s4], $0x0  }
0x19: {  	s7 =	sld [smem:$0x3F98]  }
0x1a: {  	s8 =	sadd.s32 $0xFFFFE003, lr  }
0x1b: {  	s9 =	sadd.s32 $0xFFFFFEF7, lr;
	s5 =	simm.s32 $0xFFFFFFFF;
	p2 =	slt.u32 s8, $0xFFFFF086  }
0x1c: {  	p1 =	slt.u32 s9, $0xF7A;
	s5 =	simm.s32 @!p2 $0x0  }
0x1d: {  	s5 =	simm.s32 @p1 $0x1;
	p0 =	seq.s32 s7, s2  }
0x1e: {  	s7 =	smul.u32 @!p0 $0xF7A, s2;
	p2 =	seq.s32 @!p0 s5, $0x0  }
0x1f: {  	s9 =	smul.u32 $0xF7A, s1;
	s8 =	simm.s32 @!p0 $0x1BF5;
	p2 =	por !p2, p0  }
0x20: {  	[sflag:s8] =	ssyncset.s32 @!p0 $0xFFFFF086;
	s6 =	sadd.s32 @!p0 s3, s7;
	s7 =	simm.s32 @!p0 $0x108  }
0x21: {  	s3 =	sadd.s32 s3, s9;
	s6 =	sadd.s32 @!p0 $0x88, s6;
	s7 =	simm.s32 @p2 $0x1082  }
0x22: {  	[simem:s7], [sflag:s8] =	dma.local @!p0 [hbm:s6], $0xF7A  }
0x23: {  	s9 =	sor.u32 $0xD0000000, s2;
	s6 =	simm.s32 $0x108;
	_ =	swait.ge @!p0 [sflag:s8], $0x0  }
0x24: {  	s3 =	sadd.s32 $0x88, s3;
	s6 =	simm.s32 @!p1 $0x1082;
	[sflag:s4] =	ssyncset.s32 $0xFFFFF086  }
0x25: {  	[simem:s6], [sflag:s4] =	dma.local [hbm:s3], $0xF7A  }
0x26: {  	[smem:$0x3F98] =	sst s1;
	(tag) =	ssettag s2;
	_ =	strace s9  }
0x27: {  	s1 =	sld [smem:$0x3FA8]  }
0x28: {  	s2 =	sld [smem:$0x3FA9]  }
0x29: {  	s4 =	sld [smem:$0x3FAB]  }
0x2a: {  	p0 =	seq.s32 s5, $0x0;
	s5 =	sld [smem:$0x3FAC]  }
0x2b: {  	s6 =	sld [smem:$0x3FAD]  }
0x2c: {  	s7 =	sld [smem:$0x3FAE]  }
0x2d: {  	s3 =	simm.s32 $0x108;
	s8 =	sld [smem:$0x3FAF]  }
0x2e: {  	s3 =	simm.s32 @!p0 $0x1082;
	s9 =	sld [smem:$0x3FB0]  }
0x2f: {  	lr =	sadd.s32 s0, s3;
	s0 =	sld [smem:$0x3FA7]  }
0x30: {  	s3 =	sld [smem:$0x3FAA]  }
0x31: {  	[smem:$0x3FB3] =	sst s10  }
0x32: {  	s10 =	sld [smem:$0x3FB1];
	_ =	sdelay $0x3  }
0x33: {  	p0 =	seq.s32 s10, $0x1;
	s10 =	sld [smem:$0x3FB3];
	_ =	sdelay $0x3  }
0x34: {  	[smem:$0x3FB3] =	sst s10  }
0x35: {  	s10 =	sld [smem:$0x3FB2];
	_ =	sdelay $0x3  }
0x36: {  	p1 =	seq.s32 s10, $0x1;
	s10 =	sld [smem:$0x3FB3];
	_ =	sdelay $0x3  }
0x37: {  	[smem:$0x3FB3] =	sst s10  }
0x38: {  	s10 =	sld [smem:$0x3FB4]  }
0x39: {  	_ = 	snop;
	(pc) =	sbr.ind lr, $3  }
0x3a: {  	_ = 	snop  }
0x3b: {  	_ = 	snop  }
0x3c: {  	p2 =	seq.s32 s10, $0x1;
	s10 =	sld [smem:$0x3FB3]  }
0x3d: {  	_ =	shalt  }
0x3e: {  	_ =	shalt  }
0x3f: {  	_ =	shalt  }
0x40: {  	_ =	shalt  }
0x41: {  	_ =	shalt  }
0x42: {  	_ =	shalt  }
0x43: {  	_ =	shalt  }
0x44: {  	_ =	shalt  }
0x45: {  	_ =	shalt  }
0x46: {  	_ =	shalt  }
0x47: {  	_ =	shalt  }
0x48: {  	_ =	shalt  }
0x49: {  	_ =	shalt  }
0x4a: {  	_ =	shalt  }
0x4b: {  	_ =	shalt  }
0x4c: {  	_ =	shalt  }
0x4d: {  	_ =	shalt  }
0x4e: {  	_ =	shalt  }
0x4f: {  	_ =	shalt  }
0x50: {  	_ =	shalt  }
0x51: {  	_ =	shalt  }
0x52: {  	_ =	shalt  }
0x53: {  	_ =	shalt  }
0x54: {  	_ =	shalt  }
0x55: {  	_ =	shalt  }
0x56: {  	_ =	shalt  }
0x57: {  	_ =	shalt  }
0x58: {  	_ =	shalt  }
0x59: {  	_ =	shalt  }
0x5a: {  	_ =	shalt  }
0x5b: {  	_ =	shalt  }
0x5c: {  	_ =	shalt  }
0x5d: {  	_ =	shalt  }
0x5e: {  	_ =	shalt  }
0x5f: {  	_ =	shalt  }
0x60: {  	_ =	shalt  }
0x61: {  	_ =	shalt  }
0x62: {  	_ =	shalt  }
0x63: {  	_ =	shalt  }
0x64: {  	_ =	shalt  }
0x65: {  	_ =	shalt  }
0x66: {  	_ =	shalt  }
0x67: {  	_ =	shalt  }
0x68: {  	_ =	shalt  }
0x69: {  	_ =	shalt  }
0x6a: {  	_ =	shalt  }
0x6b: {  	_ =	shalt  }
0x6c: {  	_ =	shalt  }
0x6d: {  	_ =	shalt  }
0x6e: {  	_ =	shalt  }
0x6f: {  	_ =	shalt  }
0x70: {  	_ =	shalt  }
0x71: {  	_ =	shalt  }
0x72: {  	_ =	shalt  }
0x73: {  	_ =	shalt  }
0x74: {  	_ =	shalt  }
0x75: {  	_ =	shalt  }
0x76: {  	_ =	shalt  }
0x77: {  	_ =	shalt  }
0x78: {  	_ =	shalt  }
0x79: {  	_ =	shalt  }
0x7a: {  	_ =	shalt  }
0x7b: {  	_ =	shalt  }
0x7c: {  	_ =	shalt  }
0x7d: {  	_ =	shalt  }
0x7e: {  	_ =	shalt  }
0x7f: {  	_ =	shalt  }
0x80: {  	_ =	shalt  }
0x81: {  	_ =	shalt  }
0x82: {  	_ =	shalt  }
0x83: {  	_ =	shalt  }
0x84: {  	_ =	shalt  }
0x85: {  	_ =	shalt  }
0x86: {  	_ =	shalt  }
0x87: {  	_ =	shalt  }
.Lfunc_end0:
.L_simem_size_0:
called_computation.1_lowered:
.L_overlay_start_0:
0x88: {  	s2 =	sld [smem:$0x3FD9]  }
0x89: {  	s3 =	sld [smem:$0x3FFE];
	_ =	sdelay $0x1  }
0x8a: {  	s1 =	srdreg.scid  }
0x8b: {  	s0 =	sand.u32 $0x1, s1  }
0x8c: {  	s16 =	sshll.u32 s0, $0xA;
	s2 =	sadd.s32 s3, s2  }
0x8d: {  	s2 =	sadd.s32 s2, s16  }
0x8e: {  	[smem:$0x3FBF] =	sst s2  }
0x8f: {  	_ = 	snop  }
0x90: {  	(tm) =	ssettm $0x1  }
0x91: {  	s17 =	sld [smem:$0x3FFB];
	_ =	sdelay $0x3  }
0x92: {  	_ =	strace s17  }
0x93: {  	s2 =	sld [smem:$0x3FFC];
	_ =	sdelay $0x3  }
0x94: {  	_ =	strace s2  }
0x95: {  	s2 =	sld [smem:$0x3FFD];
	_ =	sdelay $0x3  }
0x96: {  	_ =	strace s2  }
0x97: {  	_ =	strace $0x8FFFFFFF  }
0x98: {  	s18 =	sld [smem:$0x3FDB];
	_ =	sdelay $0x1  }
0x99: {  	s19 =	simm.s32 $_scs_section_size  }
0x9a: {  	s4 =	simm.s32 $_size__tile_overlayer_lowered;
	s5 =	simm.s32 $_tile_overlayer_lowered  }
0x9b: {  	s22 =	simm.s32 $0x1BFF;
	s21 =	sshll.u32 s5, $0x1;
	s2 =	sadd.s32 s19, s18  }
0x9c: {  	s6 =	simm.s32 $0x0;
	s20 =	sshll.u32 s4, $0x1;
	s4 =	sadd.s32 s21, s2  }
0x9d: {  	[timem:s6], [sflag:s22] =	dma.local [hbm:s4], s20  }
0x9e: {  	_ =	swait.ge [sflag:s22], s20  }
0x9f: {  	s3 =	ssub.s32 $0x0, s20;
	[sflag:s22] =	ssyncset.done $0x0  }
0xa0: {  	[sflag:s22] =	ssyncadd.s32 s3;
	_ =	sdelay $0x1  }
0xa1: {  	s23 =	simm.s32 $0x1B8B  }
0xa2: {  	_ =	swait.ge [sflag:s23], $0x1  }
0xa3: {  	[sflag:s23] =	ssyncset.done $0x0  }
0xa4: {  	s25 =	simm.s32 $0x1B8E;
	s24 =	sld [smem:$0x3FFE];
	[sflag:s23] =	ssyncadd.s32 $0xFFFFFFFF  }
0xa5: {  	s26 =	simm.s32 $execute0_lowered;
	[smem:$0x3FD2] =	sst s25  }
0xa6: {  	s4 =	sshll.u32 s26, $0x1;
	_ =	strace $0x80000049;
	[dreg:$0x1] =	wrdreg $0xFFFFFFFF  }
0xa7: {  	s28 =	simm.s32 $_size_execute0_lowered;
	s2 =	sadd.s32 s2, s4;
	[dreg:$0x0] =	wrdreg $0x0  }
0xa8: {  	s4 =	sshll.u32 s28, $0x1;
	[dreg:$0x2] =	wrdreg s2  }
0xa9: {  	[dreg:$0x3] =	wrdreg s4  }
0xaa: {  	[dreg:$0x4] =	wrdreg $0xC0  }
0xab: {  	_ =	task [dreg:s6], $0x5FFFF  }
0xac: {  	[dreg:$0x1] =	wrdreg $0xFFFFFFFF  }
0xad: {  	[dreg:$0x0] =	wrdreg $0x60  }
0xae: {  	[dreg:$0x2] =	wrdreg s24  }
0xaf: {  	[dreg:$0x3] =	wrdreg $0x9  }
0xb0: {  	_ =	task.clear_ibuf [dreg:s6], $0x4FFFF;
	_ =	strace $0x90000049  }
0xb1: {  	s29 =	simm.s32 $0x9;
	_ =	strace $0x8000004B  }
0xb2: {  	_ =	swait.ge [sflag:s29], $0x1  }
0xb3: {  	[sflag:s29] =	ssyncadd.s32 $0xFFFFFFFF  }
0xb4: {  	_ =	strace $0x9000004B  }
0xb5: {  	_ =	sfence  }
0xb6: {  	s30 =	sld [smem:$0x0];
	_ =	sdelay $0x2  }
0xb7: {  	s31 =	sshll.u32 s1, $0xD;
	s1 =	sshrl.u32 s1, $0x2  }
0xb8: {  	s3 =	sand.u32 $0x4000, s31;
	s1 =	sadd.s32 s1, s30  }
0xb9: {  	s0 =	sor.u32 s3, s0;
	s1 =	sshll.u32 s1, $0x11  }
0xba: {  	s0 =	sor.u32 s1, s0  }
0xbb: {  	s0 =	sadd.s32 $0x8F2B, s0  }
0xbc: {  	[sflag:s0] =	ssyncadd.remote.s32 $0x1  }
0xbd: {  	_ =	sfence.sel $0xFFFF  }
0xbe: {  	[dreg:$0x0] =	wrdreg $0xFFFFFFFF;
	(pc) =	sbr.abs _section_cstart, $3  }
0xbf: {  	[dreg:$0x1] =	wrdreg $0xFFFFFFFF  }
0xc0: {  	_ =	task.clear_ibuf [dreg:s6], $0x2FFFF;
	_ =	strace $0x9FFFFFFF  }
0xc1: {  	(tm) =	ssettm $0x7FFFFFFF  }
tec
execute0_lowered:
.L_overlay_start_1:
0x0: {  	(tag) =	ssettag $0x1  }
0x1: {  	s6 =	rddreg [dreg:$0x0]  }
0x2: {  	s0 =	rddreg [dreg:$0x1]  }
0x3: {  	s1 =	stileid.u32;
	s2 =	simm.s32 $0x0;
	s4 =	srdreg.scid  }
0x4: {  	s14 =	simm.s32 $0x9C80;
	s15 =	simm.s32 $0x13900;
	s16 =	simm.s32 $0x15900  }
0x5: {  	s17 =	simm.s32 $0x1;
	s18 =	simm.s32 $0x2;
	s19 =	simm.s32 $0x17900  }
0x6: {  	s20 =	simm.s32 $0x19900;
	s21 =	simm.s32 $0x3;
	s22 =	simm.s32 $0x4  }
0x7: {  	s23 =	simm.s32 $0x0;
	s3 =	smul.u32 $0x1390, s1;
	[smem:$0x7FF] =	sst s2  }
0x8: {  	s5 =	sand.u32 $0x1, s4;
	s7 =	smul.u32 $0x13900, s1;
	s4 =	sadd.s32 $0x15A00, s6  }
0x9: {  	_ =	strace $0x8000004A;
	s8 =	smul.u32 $0x9C80, s5;
	s30 =	ssub.s32 $0x2, s5  }
0xa: {  	s10 =	smul.u32 $0x28000, s5;
	s5 =	sadd.s32 $0x29A00, s6;
	s9 =	sadd.s32 s3, s6  }
0xb: {  	s3 =	sadd.s32 $0x1FA00, s6;
	s11 =	sshrl.u32 s30, $0x1;
	s7 =	sadd.s32 s8, s7  }
0xc: {  	s13 =	ssub.s32 s30, s11;
	s31 =	sshrl.u32 s10, $0x3;
	s7 =	sshrl.u32 s7, $0x3  }
0xd: {  	s8 =	sadd.s32 s4, s31;
	s12 =	sadd.s32 s7, s6;
	s6 =	sadd.s32 $0x1400, s9  }
0xe: {  	s7 =	sadd.s32 s3, s31;
	s9 =	sor.u32 $0x2000, s10;
	s10 =	sor.u32 $0x4000, s10  }
0xf: {  	s11 =	sadd.s32 $0x2AE00, s12;
	s12 =	smax.u32 s13, $0x1;
	s13 =	simm.s32 $0x5  }
.LBB2_1:
0x10: {  	[tilespmem:s2], [sflag:$0x5] =	stream.linear.gather [hbm4b:s6+s2], $0x9C80, $0x38;
	[tilespmem:$0x1B900] =	vst v63  }
0x11: {  	_ =	swait.ge [sflag:s13], $0x9C80  }
0x12: {  	[sflag:s13] =	ssyncset.done $0x0  }
0x13: {  	[sflag:s13] =	ssyncadd.s32 $0xFFFF6380  }
0x14: {  	[tilespmem:s14], [sflag:$0x5] =	stream.linear.gather [hbm4b:s5+s2], $0x9C80, $0x38;
	[tilespmem:$0x1B900] =	vst v63  }
0x15: {  	_ =	swait.ge [sflag:s13], $0x9C80  }
0x16: {  	[sflag:s13] =	ssyncset.done $0x0  }
0x17: {  	[sflag:s13] =	ssyncadd.s32 $0xFFFF6380  }
0x18: {  	[tilespmem:s15], [sflag:$0x1] =	stream.linear.gather [hbm4b:s7+s2], $0x2000, $0x38;
	[tilespmem:$0x1B900] =	vst v63  }
0x19: {  	s24 =	simm.s32 $0x0  }
0x1a: {  	[tilespmem:s16], [sflag:$0x2] =	stream.linear.gather [hbm4b:s8+s2], $0x2000, $0x38;
	[tilespmem:$0x1B900] =	vst v63  }
.LBB2_2:
0x1b: {  	_ =	swait.ge [sflag:s17], $0x2000  }
0x1c: {  	[sflag:s17] =	ssyncset.done $0x0  }
0x1d: {  	s25 =	sshll.u32 s24, $0xE;
	[sflag:s17] =	ssyncadd.s32 $0xFFFFE000  }
0x1e: {  	s25 =	sadd.s32 s25, s9;
	_ =	swait.ge [sflag:s18], $0x2000  }
0x1f: {  	s25 =	sshrl.u32 s25, $0x3;
	[sflag:s18] =	ssyncset.done $0x0  }
0x20: {  	s28 =	simm.s32 $0x0;
	s26 =	sadd.s32 s3, s25;
	[sflag:s18] =	ssyncadd.s32 $0xFFFFE000  }
0x21: {  	[tilespmem:s19], [sflag:$0x3] =	stream.linear.gather [hbm4b:s26+s28], $0x2000, $0x38;
	[tilespmem:$0x1B900] =	vst v63  }
0x22: {  	s31 =	simm.s32 $0x0;
	s25 =	sadd.s32 s4, s25  }
0x23: {  	[tilespmem:s20], [sflag:$0x4] =	stream.linear.gather [hbm4b:s25+s28], $0x2000, $0x38;
	[tilespmem:$0x1B900] =	vst v63  }
0x24: {  	v0 =	vld [tilespmem:s31+$0x13910]  }
0x25: {  	v1 =	vld [tilespmem:s31+$0x13900]  }
0x26: {  	v4 =	vld [tilespmem:s31+$0x13920]  }
0x27: {  	v10 =	vld [tilespmem:s31+$0x13930]  }
0x28: {  	v2 =	vld [tilespmem:s31+$0x15930]  }
0x29: {  	v3 =	vld [tilespmem:s31+$0x15920]  }
0x2a: {  	v5 =	vld [tilespmem:s31+$0x15910]  }
0x2b: {  	v8 =	vld [tilespmem:s31+$0x15900];
	v6 =	vadd.s32 $0x4E40, v0  }
0x2c: {  	v7 =	vadd.s32 $0x7560, v0;
	v12 =	vld.idx.msk [tilespmem:v0+s2+$0x0], $0xffff  }
0x2d: {  	v9 =	vadd.s32 $0x2720, v1;
	v13 =	vld.idx.msk [tilespmem:v1+s2+$0x0], $0xffff  }
0x2e: {  	v11 =	vadd.s32 $0x7560, v1;
	v16 =	vld.idx.msk [tilespmem:v4+s2+$0x0], $0xffff  }
0x2f: {  	v14 =	vadd.s32 $0x7560, v4;
	v20 =	vld.idx.msk [tilespmem:v10+s2+$0x0], $0xffff  }
0x30: {  	v15 =	vadd.s32 $0x4E40, v4;
	v6 =	vld.idx.msk [tilespmem:v6+s2+$0x0], $0xffff  }
0x31: {  	v19 =	vadd.s32 $0x2720, v10;
	v7 =	vld.idx.msk [tilespmem:v7+s2+$0x0], $0xffff  }
0x32: {  	v0 =	vadd.s32 $0x2720, v0;
	v9 =	vld.idx.msk [tilespmem:v9+s2+$0x0], $0xffff  }
0x33: {  	v1 =	vadd.s32 $0x4E40, v1;
	v11 =	vld.idx.msk [tilespmem:v11+s2+$0x0], $0xffff  }
0x34: {  	v17 =	vadd.s32 $0x7560, v10;
	v14 =	vld.idx.msk [tilespmem:v14+s2+$0x0], $0xffff  }
0x35: {  	v4 =	vadd.s32 $0x2720, v4;
	v15 =	vld.idx.msk [tilespmem:v15+s2+$0x0], $0xffff  }
0x36: {  	v10 =	vadd.s32 $0x4E40, v10;
	v19 =	vld.idx.msk [tilespmem:v19+s2+$0x0], $0xffff  }
0x37: {  	v18 =	vld.idx.msk [tilespmem:v0+s2+$0x0], $0xffff  }
0x38: {  	v21 =	vadd.s32 $0x2720, v8;
	v1 =	vld.idx.msk [tilespmem:v1+s2+$0x0], $0xffff  }
0x39: {  	v58 =	vadd.s32 $0x4E40, v8;
	v0 =	vld.idx.msk [tilespmem:v17+s2+$0x0], $0xffff  }
0x3a: {  	v22 =	vadd.s32 $0x7560, v8;
	v4 =	vld.idx.msk [tilespmem:v4+s2+$0x0], $0xffff  }
0x3b: {  	v10 =	vld.idx.msk [tilespmem:v10+s2+$0x0], $0xffff  }
0x3c: {  	v23 =	vadd.s32 $0x2720, v5;
	[tilespmem:v8+s14+$0x0] =	vst.idx.add.f32.msk $0xffff, v13  }
0x3d: {  	v59 =	vadd.s32 $0x4E40, v5;
	[tilespmem:v21+s14+$0x0] =	vst.idx.add.f32.msk $0xffff, v9  }
0x3e: {  	v60 =	vadd.s32 $0x7560, v5;
	[tilespmem:v58+s14+$0x0] =	vst.idx.add.f32.msk $0xffff, v1  }
0x3f: {  	[tilespmem:v22+s14+$0x0] =	vst.idx.add.f32.msk $0xffff, v11  }
0x40: {  	v1 =	vadd.s32 $0x2720, v3;
	[tilespmem:v5+s14+$0x0] =	vst.idx.add.f32.msk $0xffff, v12  }
0x41: {  	v61 =	vadd.s32 $0x4E40, v3;
	[tilespmem:v23+s14+$0x0] =	vst.idx.add.f32.msk $0xffff, v18  }
0x42: {  	v62 =	vadd.s32 $0x7560, v3;
	[tilespmem:v59+s14+$0x0] =	vst.idx.add.f32.msk $0xffff, v6  }
0x43: {  	[tilespmem:v60+s14+$0x0] =	vst.idx.add.f32.msk $0xffff, v7  }
0x44: {  	v63 =	vadd.s32 $0x2720, v2;
	[tilespmem:v3+s14+$0x0] =	vst.idx.add.f32.msk $0xffff, v16  }
0x45: {  	v3 =	vadd.s32 $0x4E40, v2;
	[tilespmem:v1+s14+$0x0] =	vst.idx.add.f32.msk $0xffff, v4  }
0x46: {  	v1 =	vadd.s32 $0x7560, v2;
	[tilespmem:v61+s14+$0x0] =	vst.idx.add.f32.msk $0xffff, v15  }
0x47: {  	[tilespmem:v62+s14+$0x0] =	vst.idx.add.f32.msk $0xffff, v14  }
0x48: {  	[tilespmem:v2+s14+$0x0] =	vst.idx.add.f32.msk $0xffff, v20  }
0x49: {  	[tilespmem:v63+s14+$0x0] =	vst.idx.add.f32.msk $0xffff, v19  }
0x4a: {  	s25 =	simm.s32 $0x100;
	[tilespmem:v3+s14+$0x0] =	vst.idx.add.f32.msk $0xffff, v10  }
.LBB2_3:
0x4b: {  	s26 =	sshra.s32 s25, $0x2;
	p0 =	sne.s32 s25, $0x7F00;
	s25 =	sadd.s32 $0x100, s25;
	[tilespmem:v1+s14+$0x0] =	vst.idx.add.f32.msk $0xffff, v0  }
0x4c: {  	v0 =	vld [tilespmem:s26+$0x13910]  }
0x4d: {  	v1 =	vld [tilespmem:s26+$0x13900]  }
0x4e: {  	v2 =	vld [tilespmem:s26+$0x15930]  }
0x4f: {  	v3 =	vld [tilespmem:s26+$0x15920]  }
0x50: {  	v4 =	vld [tilespmem:s26+$0x13920]  }
0x51: {  	v5 =	vld [tilespmem:s26+$0x15910];
	v6 =	vadd.s32 $0x4E40, v0;
	v7 =	vadd.s32 $0x7560, v0  }
0x52: {  	v8 =	vld [tilespmem:s26+$0x15900];
	v9 =	vadd.s32 $0x2720, v1;
	v10 =	vadd.s32 $0x7560, v1  }
0x53: {  	v11 =	vadd.s32 $0x4E40, v1;
	v12 =	vld [tilespmem:s26+$0x13930]  }
0x54: {  	v13 =	vld.idx.msk [tilespmem:v0+s2+$0x0], $0xffff;
	v0 =	vadd.s32 $0x2720, v0  }
0x55: {  	v1 =	vld.idx.msk [tilespmem:v1+s2+$0x0], $0xffff;
	v14 =	vadd.s32 $0x2720, v4;
	v15 =	vadd.s32 $0x4E40, v4;
	v16 =	vadd.s32 $0x7560, v4  }
0x56: {  	v6 =	vld.idx.msk [tilespmem:v6+s2+$0x0], $0xffff  }
0x57: {  	v7 =	vld.idx.msk [tilespmem:v7+s2+$0x0], $0xffff  }
0x58: {  	v9 =	vld.idx.msk [tilespmem:v9+s2+$0x0], $0xffff  }
0x59: {  	v17 =	vadd.s32 $0x2720, v12;
	v18 =	vadd.s32 $0x4E40, v12;
	v19 =	vadd.s32 $0x7560, v12;
	v10 =	vld.idx.msk [tilespmem:v10+s2+$0x0], $0xffff  }
0x5a: {  	v4 =	vld.idx.msk [tilespmem:v4+s2+$0x0], $0xffff  }
0x5b: {  	v20 =	vld.idx.msk [tilespmem:v0+s2+$0x0], $0xffff  }
0x5c: {  	v16 =	vld.idx.msk [tilespmem:v16+s2+$0x0], $0xffff  }
0x5d: {  	v12 =	vld.idx.msk [tilespmem:v12+s2+$0x0], $0xffff  }
0x5e: {  	v11 =	vld.idx.msk [tilespmem:v11+s2+$0x0], $0xffff  }
0x5f: {  	v15 =	vld.idx.msk [tilespmem:v15+s2+$0x0], $0xffff  }
0x60: {  	v21 =	vadd.s32 $0x2720, v8;
	v0 =	vld.idx.msk [tilespmem:v19+s2+$0x0], $0xffff  }
0x61: {  	v19 =	vadd.s32 $0x4E40, v8;
	v17 =	vld.idx.msk [tilespmem:v17+s2+$0x0], $0xffff  }
0x62: {  	v22 =	vadd.s32 $0x7560, v8;
	v14 =	vld.idx.msk [tilespmem:v14+s2+$0x0], $0xffff  }
0x63: {  	v18 =	vld.idx.msk [tilespmem:v18+s2+$0x0], $0xffff  }
0x64: {  	v23 =	vadd.s32 $0x2720, v5;
	[tilespmem:v8+s14+$0x0] =	vst.idx.add.f32.msk $0xffff, v1  }
0x65: {  	v1 =	vadd.s32 $0x4E40, v5;
	[tilespmem:v21+s14+$0x0] =	vst.idx.add.f32.msk $0xffff, v9  }
0x66: {  	v8 =	vadd.s32 $0x7560, v5;
	[tilespmem:v19+s14+$0x0] =	vst.idx.add.f32.msk $0xffff, v11  }
0x67: {  	[tilespmem:v22+s14+$0x0] =	vst.idx.add.f32.msk $0xffff, v10  }
0x68: {  	v9 =	vadd.s32 $0x2720, v3;
	[tilespmem:v5+s14+$0x0] =	vst.idx.add.f32.msk $0xffff, v13  }
0x69: {  	v5 =	vadd.s32 $0x4E40, v3;
	[tilespmem:v23+s14+$0x0] =	vst.idx.add.f32.msk $0xffff, v20  }
0x6a: {  	v10 =	vadd.s32 $0x7560, v3;
	[tilespmem:v1+s14+$0x0] =	vst.idx.add.f32.msk $0xffff, v6  }
0x6b: {  	[tilespmem:v8+s14+$0x0] =	vst.idx.add.f32.msk $0xffff, v7  }
0x6c: {  	v6 =	vadd.s32 $0x2720, v2;
	[tilespmem:v3+s14+$0x0] =	vst.idx.add.f32.msk $0xffff, v4  }
0x6d: {  	v3 =	vadd.s32 $0x4E40, v2;
	[tilespmem:v9+s14+$0x0] =	vst.idx.add.f32.msk $0xffff, v14  }
.Ltmp0:
0x6e: {  	v1 =	vadd.s32 $0x7560, v2;
	[tilespmem:v5+s14+$0x0] =	vst.idx.add.f32.msk $0xffff, v15;
	(pc) =	sbr.rel @p0 .LBB2_3-.Ltmp0, $4  }
0x6f: {  	[tilespmem:v10+s14+$0x0] =	vst.idx.add.f32.msk $0xffff, v16  }
0x70: {  	[tilespmem:v2+s14+$0x0] =	vst.idx.add.f32.msk $0xffff, v12  }
0x71: {  	[tilespmem:v6+s14+$0x0] =	vst.idx.add.f32.msk $0xffff, v17  }
0x72: {  	[tilespmem:v3+s14+$0x0] =	vst.idx.add.f32.msk $0xffff, v18  }
0x73: {  	_ =	sdelay $0x3  }
0x74: {  	[tilespmem:v1+s14+$0x0] =	vst.idx.add.f32.msk $0xffff, v0  }
0x75: {  	s25 =	sshll.u32 s24, $0x1;
	_ =	swait.ge [sflag:s21], $0x2000  }
0x76: {  	s25 =	smin.u32 s25, $0x11;
	[sflag:s21] =	ssyncset.done $0x0  }
0x77: {  	s25 =	sshll.u32 s25, $0xD;
	[sflag:s21] =	ssyncadd.s32 $0xFFFFE000  }
0x78: {  	s25 =	sadd.s32 s25, s10;
	_ =	swait.ge [sflag:s22], $0x2000  }
0x79: {  	s25 =	sshrl.u32 s25, $0x3;
	[sflag:s22] =	ssyncset.done $0x0  }
0x7a: {  	s28 =	simm.s32 $0x0;
	s26 =	sadd.s32 s3, s25;
	[sflag:s22] =	ssyncadd.s32 $0xFFFFE000  }
0x7b: {  	[tilespmem:s15], [sflag:$0x1] =	stream.linear.gather [hbm4b:s26+s28], $0x2000, $0x38;
	[tilespmem:$0x1B900] =	vst v63  }
0x7c: {  	s31 =	simm.s32 $0x0;
	s25 =	sadd.s32 s4, s25  }
0x7d: {  	[tilespmem:s16], [sflag:$0x2] =	stream.linear.gather [hbm4b:s25+s28], $0x2000, $0x38;
	[tilespmem:$0x1B900] =	vst v63  }
0x7e: {  	v0 =	vld [tilespmem:s31+$0x17910]  }
0x7f: {  	v1 =	vld [tilespmem:s31+$0x17900]  }
0x80: {  	v4 =	vld [tilespmem:s31+$0x17920]  }
0x81: {  	v10 =	vld [tilespmem:s31+$0x17930]  }
0x82: {  	v2 =	vld [tilespmem:s31+$0x19930]  }
0x83: {  	v3 =	vld [tilespmem:s31+$0x19920]  }
0x84: {  	v5 =	vld [tilespmem:s31+$0x19910]  }
0x85: {  	v8 =	vld [tilespmem:s31+$0x19900];
	v6 =	vadd.s32 $0x4E40, v0  }
0x86: {  	v7 =	vadd.s32 $0x7560, v0;
	v12 =	vld.idx.msk [tilespmem:v0+s2+$0x0], $0xffff  }
0x87: {  	v9 =	vadd.s32 $0x2720, v1;
	v13 =	vld.idx.msk [tilespmem:v1+s2+$0x0], $0xffff  }
0x88: {  	v11 =	vadd.s32 $0x7560, v1;
	v16 =	vld.idx.msk [tilespmem:v4+s2+$0x0], $0xffff  }
0x89: {  	v14 =	vadd.s32 $0x7560, v4;
	v20 =	vld.idx.msk [tilespmem:v10+s2+$0x0], $0xffff  }
0x8a: {  	v15 =	vadd.s32 $0x4E40, v4;
	v6 =	vld.idx.msk [tilespmem:v6+s2+$0x0], $0xffff  }
0x8b: {  	v19 =	vadd.s32 $0x2720, v10;
	v7 =	vld.idx.msk [tilespmem:v7+s2+$0x0], $0xffff  }
0x8c: {  	v0 =	vadd.s32 $0x2720, v0;
	v9 =	vld.idx.msk [tilespmem:v9+s2+$0x0], $0xffff  }
0x8d: {  	v1 =	vadd.s32 $0x4E40, v1;
	v11 =	vld.idx.msk [tilespmem:v11+s2+$0x0], $0xffff  }
0x8e: {  	v17 =	vadd.s32 $0x7560, v10;
	v14 =	vld.idx.msk [tilespmem:v14+s2+$0x0], $0xffff  }
0x8f: {  	v4 =	vadd.s32 $0x2720, v4;
	v15 =	vld.idx.msk [tilespmem:v15+s2+$0x0], $0xffff  }
0x90: {  	v10 =	vadd.s32 $0x4E40, v10;
	v19 =	vld.idx.msk [tilespmem:v19+s2+$0x0], $0xffff  }
0x91: {  	v18 =	vld.idx.msk [tilespmem:v0+s2+$0x0], $0xffff  }
0x92: {  	v21 =	vadd.s32 $0x2720, v8;
	v1 =	vld.idx.msk [tilespmem:v1+s2+$0x0], $0xffff  }
0x93: {  	v58 =	vadd.s32 $0x4E40, v8;
	v0 =	vld.idx.msk [tilespmem:v17+s2+$0x0], $0xffff  }
0x94: {  	v22 =	vadd.s32 $0x7560, v8;
	v4 =	vld.idx.msk [tilespmem:v4+s2+$0x0], $0xffff  }
0x95: {  	v10 =	vld.idx.msk [tilespmem:v10+s2+$0x0], $0xffff  }
0x96: {  	v23 =	vadd.s32 $0x2720, v5;
	[tilespmem:v8+s14+$0x0] =	vst.idx.add.f32.msk $0xffff, v13  }
0x97: {  	v59 =	vadd.s32 $0x4E40, v5;
	[tilespmem:v21+s14+$0x0] =	vst.idx.add.f32.msk $0xffff, v9  }
0x98: {  	v60 =	vadd.s32 $0x7560, v5;
	[tilespmem:v58+s14+$0x0] =	vst.idx.add.f32.msk $0xffff, v1  }
0x99: {  	[tilespmem:v22+s14+$0x0] =	vst.idx.add.f32.msk $0xffff, v11  }
0x9a: {  	v1 =	vadd.s32 $0x2720, v3;
	[tilespmem:v5+s14+$0x0] =	vst.idx.add.f32.msk $0xffff, v12  }
0x9b: {  	v61 =	vadd.s32 $0x4E40, v3;
	[tilespmem:v23+s14+$0x0] =	vst.idx.add.f32.msk $0xffff, v18  }
0x9c: {  	v62 =	vadd.s32 $0x7560, v3;
	[tilespmem:v59+s14+$0x0] =	vst.idx.add.f32.msk $0xffff, v6  }
0x9d: {  	[tilespmem:v60+s14+$0x0] =	vst.idx.add.f32.msk $0xffff, v7  }
0x9e: {  	v63 =	vadd.s32 $0x2720, v2;
	[tilespmem:v3+s14+$0x0] =	vst.idx.add.f32.msk $0xffff, v16  }
0x9f: {  	v3 =	vadd.s32 $0x4E40, v2;
	[tilespmem:v1+s14+$0x0] =	vst.idx.add.f32.msk $0xffff, v4  }
0xa0: {  	v1 =	vadd.s32 $0x7560, v2;
	[tilespmem:v61+s14+$0x0] =	vst.idx.add.f32.msk $0xffff, v15  }
0xa1: {  	[tilespmem:v62+s14+$0x0] =	vst.idx.add.f32.msk $0xffff, v14  }
0xa2: {  	[tilespmem:v2+s14+$0x0] =	vst.idx.add.f32.msk $0xffff, v20  }
0xa3: {  	[tilespmem:v63+s14+$0x0] =	vst.idx.add.f32.msk $0xffff, v19  }
0xa4: {  	s25 =	simm.s32 $0x100;
	[tilespmem:v3+s14+$0x0] =	vst.idx.add.f32.msk $0xffff, v10  }
.LBB2_5:
0xa5: {  	s26 =	sshra.s32 s25, $0x2;
	p0 =	sne.s32 s25, $0x7F00;
	s25 =	sadd.s32 $0x100, s25;
	[tilespmem:v1+s14+$0x0] =	vst.idx.add.f32.msk $0xffff, v0  }
0xa6: {  	v0 =	vld [tilespmem:s26+$0x17910]  }
0xa7: {  	v1 =	vld [tilespmem:s26+$0x17900]  }
0xa8: {  	v2 =	vld [tilespmem:s26+$0x19930]  }
0xa9: {  	v3 =	vld [tilespmem:s26+$0x19920]  }
0xaa: {  	v4 =	vld [tilespmem:s26+$0x17920]  }
0xab: {  	v5 =	vld [tilespmem:s26+$0x19910];
	v6 =	vadd.s32 $0x4E40, v0;
	v7 =	vadd.s32 $0x7560, v0  }
0xac: {  	v8 =	vld [tilespmem:s26+$0x19900];
	v9 =	vadd.s32 $0x2720, v1;
	v10 =	vadd.s32 $0x7560, v1  }
0xad: {  	v11 =	vadd.s32 $0x4E40, v1;
	v12 =	vld [tilespmem:s26+$0x17930]  }
0xae: {  	v13 =	vld.idx.msk [tilespmem:v0+s2+$0x0], $0xffff;
	v0 =	vadd.s32 $0x2720, v0  }
0xaf: {  	v1 =	vld.idx.msk [tilespmem:v1+s2+$0x0], $0xffff;
	v14 =	vadd.s32 $0x2720, v4;
	v15 =	vadd.s32 $0x4E40, v4;
	v16 =	vadd.s32 $0x7560, v4  }
0xb0: {  	v6 =	vld.idx.msk [tilespmem:v6+s2+$0x0], $0xffff  }
0xb1: {  	v7 =	vld.idx.msk [tilespmem:v7+s2+$0x0], $0xffff  }
0xb2: {  	v9 =	vld.idx.msk [tilespmem:v9+s2+$0x0], $0xffff  }
0xb3: {  	v17 =	vadd.s32 $0x2720, v12;
	v18 =	vadd.s32 $0x4E40, v12;
	v19 =	vadd.s32 $0x7560, v12;
	v10 =	vld.idx.msk [tilespmem:v10+s2+$0x0], $0xffff  }
0xb4: {  	v4 =	vld.idx.msk [tilespmem:v4+s2+$0x0], $0xffff  }
0xb5: {  	v20 =	vld.idx.msk [tilespmem:v0+s2+$0x0], $0xffff  }
0xb6: {  	v16 =	vld.idx.msk [tilespmem:v16+s2+$0x0], $0xffff  }
0xb7: {  	v12 =	vld.idx.msk [tilespmem:v12+s2+$0x0], $0xffff  }
0xb8: {  	v11 =	vld.idx.msk [tilespmem:v11+s2+$0x0], $0xffff  }
0xb9: {  	v15 =	vld.idx.msk [tilespmem:v15+s2+$0x0], $0xffff  }
0xba: {  	v21 =	vadd.s32 $0x2720, v8;
	v0 =	vld.idx.msk [tilespmem:v19+s2+$0x0], $0xffff  }
0xbb: {  	v19 =	vadd.s32 $0x4E40, v8;
	v17 =	vld.idx.msk [tilespmem:v17+s2+$0x0], $0xffff  }
0xbc: {  	v22 =	vadd.s32 $0x7560, v8;
	v14 =	vld.idx.msk [tilespmem:v14+s2+$0x0], $0xffff  }
0xbd: {  	v18 =	vld.idx.msk [tilespmem:v18+s2+$0x0], $0xffff  }
0xbe: {  	v23 =	vadd.s32 $0x2720, v5;
	[tilespmem:v8+s14+$0x0] =	vst.idx.add.f32.msk $0xffff, v1  }
0xbf: {  	v1 =	vadd.s32 $0x4E40, v5;
	[tilespmem:v21+s14+$0x0] =	vst.idx.add.f32.msk $0xffff, v9  }
0xc0: {  	v8 =	vadd.s32 $0x7560, v5;
	[tilespmem:v19+s14+$0x0] =	vst.idx.add.f32.msk $0xffff, v11  }
0xc1: {  	[tilespmem:v22+s14+$0x0] =	vst.idx.add.f32.msk $0xffff, v10  }
0xc2: {  	v9 =	vadd.s32 $0x2720, v3;
	[tilespmem:v5+s14+$0x0] =	vst.idx.add.f32.msk $0xffff, v13  }
0xc3: {  	v5 =	vadd.s32 $0x4E40, v3;
	[tilespmem:v23+s14+$0x0] =	vst.idx.add.f32.msk $0xffff, v20  }
0xc4: {  	v10 =	vadd.s32 $0x7560, v3;
	[tilespmem:v1+s14+$0x0] =	vst.idx.add.f32.msk $0xffff, v6  }
0xc5: {  	[tilespmem:v8+s14+$0x0] =	vst.idx.add.f32.msk $0xffff, v7  }
0xc6: {  	v6 =	vadd.s32 $0x2720, v2;
	[tilespmem:v3+s14+$0x0] =	vst.idx.add.f32.msk $0xffff, v4  }
0xc7: {  	v3 =	vadd.s32 $0x4E40, v2;
	[tilespmem:v9+s14+$0x0] =	vst.idx.add.f32.msk $0xffff, v14  }
.Ltmp1:
0xc8: {  	v1 =	vadd.s32 $0x7560, v2;
	[tilespmem:v5+s14+$0x0] =	vst.idx.add.f32.msk $0xffff, v15;
	(pc) =	sbr.rel @p0 .LBB2_5-.Ltmp1, $4  }
0xc9: {  	[tilespmem:v10+s14+$0x0] =	vst.idx.add.f32.msk $0xffff, v16  }
0xca: {  	[tilespmem:v2+s14+$0x0] =	vst.idx.add.f32.msk $0xffff, v12  }
0xcb: {  	[tilespmem:v6+s14+$0x0] =	vst.idx.add.f32.msk $0xffff, v17  }
0xcc: {  	[tilespmem:v3+s14+$0x0] =	vst.idx.add.f32.msk $0xffff, v18  }
0xcd: {  	s24 =	sadd.s32 $0x1, s24  }
0xce: {  	p0 =	sne.s32 s24, $0xA  }
.Ltmp2:
0xcf: {  	_ = 	snop;
	(pc) =	sbr.rel @p0 .LBB2_2-.Ltmp2, $2  }
0xd0: {  	_ =	sdelay $0x2  }
0xd1: {  	[tilespmem:v1+s14+$0x0] =	vst.idx.add.f32.msk $0xffff, v0  }
0xd2: {  	_ =	swait.ge [sflag:s17], $0x2000  }
0xd3: {  	[sflag:s17] =	ssyncset.done $0x0  }
0xd4: {  	[sflag:s17] =	ssyncadd.s32 $0xFFFFE000  }
0xd5: {  	s23 =	sadd.s32 $0x1, s23;
	_ =	swait.ge [sflag:s18], $0x2000  }
0xd6: {  	p0 =	sne.s32 s23, s12;
	[sflag:s18] =	ssyncset.done $0x0  }
.Ltmp3:
0xd7: {  	[sflag:s18] =	ssyncadd.s32 $0xFFFFE000;
	(pc) =	sbr.rel @p0 .LBB2_1-.Ltmp3, $4  }
0xd8: {  	[hbm4b:s11+s2] =	stream.linear.scatter [tilespmem:s14], [sflag:$0x5], $0x9C80, $0x38;
	[tilespmem:$0x1B900] =	vst v63  }
0xd9: {  	_ =	swait.ge [sflag:s13], $0x9C80  }
0xda: {  	[sflag:s13] =	ssyncset.done $0x0  }
0xdb: {  	[sflag:s13] =	ssyncadd.s32 $0xFFFF6380  }
0xdc: {  	_ =	sfence.sel $0x180000  }
0xdd: {  	[bflag:$0x0] =	sbarrier.arrive $0xFFFF  }
0xde: {  	p0 =	sne.s32 s1, $0x0;
	_ =	strace $0x9000004A  }
0xdf: {  	s0 =	sadd.s32 @!p0 $0x100000, s0;
	[bflag:$0x2] =	sbarrier.arrive $0xFFFF  }
0xe0: {  	[sflag:s0] =	ssyncadd.tile.s32 @!p0 $0x1;
	_ =	shalt  }
.Lfunc_end2:
_tile_overlayer_lowered:
.L_overlay_start_2:
0xe1: {  	(tag) =	ssettag $0x2  }
0xe2: {  	s0 =	rddreg [dreg:$0x0];
	s2 =	stileid.u32  }
0xe3: {  	s1 =	rddreg [dreg:$0x1];
	p0 =	sne.s32 s2, $0x0  }
0xe4: {  	s3 =	rddreg [dreg:$0x2];
	[bflag:$0x3] =	sbarrier.arrive $0xFFFF;
	s2 =	simm.s32 @!p0 $0x1C05  }
0xe5: {  	[timem:s3], [sflag:s2] =	dma.local @!p0 [hbm:s0], s1  }
0xe6: {  	s0 =	simm.s32 @!p0 $0x5  }
0xe7: {  	_ =	swait.ge @!p0 [sflag:s0], s1  }
0xe8: {  	s1 =	ssub.s32 @!p0 $0x0, s1;
	[sflag:s0] =	ssyncset.done @!p0 $0x0  }
0xe9: {  	[sflag:s0] =	ssyncadd.s32 @!p0 s1  }
0xea: {  	[bflag:$0x3] =	sbarrier.arrive $0xFFFF  }
0xeb: {  	_ =	shalt  }

// kernel: kernel.14.cloned.1.call-start
scs
__scs_entry_jumppad:
0x0: {  	(pc) =	sbr.rel $0x88, $3  }
0x1: {  	(tag) =	ssettag $0x0;
	lr =	simm.s32 $0x1  }
0x2: {  	[smem:$0x3F98] =	sst lr;
	_ =	strace $0xD0000000  }
0x3: {  	_ = 	snop  }
0x4: {  	_ = 	snop  }
0x5: {  	_ = 	snop  }
0x6: {  	_ = 	snop  }
0x7: {  	_ = 	snop  }
__scs_overlays_trampoline_lowered:
0x8: {  	[smem:$0x3FA7] =	sst s0  }
0x9: {  	[smem:$0x3FA8] =	sst s1  }
0xa: {  	[smem:$0x3FA9] =	sst s2  }
0xb: {  	[smem:$0x3FAA] =	sst s3  }
0xc: {  	[smem:$0x3FAB] =	sst s4  }
0xd: {  	[smem:$0x3FAC] =	sst s5  }
0xe: {  	[smem:$0x3FAD] =	sst s6  }
0xf: {  	[smem:$0x3FAE] =	sst s7  }
0x10: {  	[smem:$0x3FAF] =	sst s8  }
0x11: {  	[smem:$0x3FB0] =	sst s9;
	s0 =	simm.s32 @!p0 $0x0  }
0x12: {  	s1 =	sld [smem:$0x3F96];
	s0 =	simm.s32 @p0 $0x1  }
0x13: {  	[smem:$0x3FB1] =	sst s0;
	s0 =	simm.s32 @!p1 $0x0  }
0x14: {  	s2 =	sld [smem:$0x3F95];
	s0 =	simm.s32 @p1 $0x1  }
0x15: {  	[smem:$0x3FB2] =	sst s0;
	s0 =	simm.s32 @!p2 $0x0  }
0x16: {  	s3 =	sld [smem:$0x3FDB];
	s0 =	simm.s32 @p2 $0x1  }
0x17: {  	s4 =	simm.s32 $0x1BF5;
	[smem:$0x3FB4] =	sst s0  }
0x18: {  	s0 =	sld [smem:$0x3F97];
	_ =	swait.ge [sflag:s4], $0x0  }
0x19: {  	s7 =	sld [smem:$0x3F98]  }
0x1a: {  	s8 =	sadd.s32 $0xFFFFE003, lr  }
0x1b: {  	s9 =	sadd.s32 $0xFFFFFEF7, lr;
	s5 =	simm.s32 $0xFFFFFFFF;
	p2 =	slt.u32 s8, $0xFFFFF086  }
0x1c: {  	p1 =	slt.u32 s9, $0xF7A;
	s5 =	simm.s32 @!p2 $0x0  }
0x1d: {  	s5 =	simm.s32 @p1 $0x1;
	p0 =	seq.s32 s7, s2  }
0x1e: {  	s7 =	smul.u32 @!p0 $0xF7A, s2;
	p2 =	seq.s32 @!p0 s5, $0x0  }
0x1f: {  	s9 =	smul.u32 $0xF7A, s1;
	s8 =	simm.s32 @!p0 $0x1BF5;
	p2 =	por !p2, p0  }
0x20: {  	[sflag:s8] =	ssyncset.s32 @!p0 $0xFFFFF086;
	s6 =	sadd.s32 @!p0 s3, s7;
	s7 =	simm.s32 @!p0 $0x108  }
0x21: {  	s3 =	sadd.s32 s3, s9;
	s6 =	sadd.s32 @!p0 $0x88, s6;
	s7 =	simm.s32 @p2 $0x1082  }
0x22: {  	[simem:s7], [sflag:s8] =	dma.local @!p0 [hbm:s6], $0xF7A  }
0x23: {  	s9 =	sor.u32 $0xD0000000, s2;
	s6 =	simm.s32 $0x108;
	_ =	swait.ge @!p0 [sflag:s8], $0x0  }
0x24: {  	s3 =	sadd.s32 $0x88, s3;
	s6 =	simm.s32 @!p1 $0x1082;
	[sflag:s4] =	ssyncset.s32 $0xFFFFF086  }
0x25: {  	[simem:s6], [sflag:s4] =	dma.local [hbm:s3], $0xF7A  }
0x26: {  	[smem:$0x3F98] =	sst s1;
	(tag) =	ssettag s2;
	_ =	strace s9  }
0x27: {  	s1 =	sld [smem:$0x3FA8]  }
0x28: {  	s2 =	sld [smem:$0x3FA9]  }
0x29: {  	s4 =	sld [smem:$0x3FAB]  }
0x2a: {  	p0 =	seq.s32 s5, $0x0;
	s5 =	sld [smem:$0x3FAC]  }
0x2b: {  	s6 =	sld [smem:$0x3FAD]  }
0x2c: {  	s7 =	sld [smem:$0x3FAE]  }
0x2d: {  	s3 =	simm.s32 $0x108;
	s8 =	sld [smem:$0x3FAF]  }
0x2e: {  	s3 =	simm.s32 @!p0 $0x1082;
	s9 =	sld [smem:$0x3FB0]  }
0x2f: {  	lr =	sadd.s32 s0, s3;
	s0 =	sld [smem:$0x3FA7]  }
0x30: {  	s3 =	sld [smem:$0x3FAA]  }
0x31: {  	[smem:$0x3FB3] =	sst s10  }
0x32: {  	s10 =	sld [smem:$0x3FB1];
	_ =	sdelay $0x3  }
0x33: {  	p0 =	seq.s32 s10, $0x1;
	s10 =	sld [smem:$0x3FB3];
	_ =	sdelay $0x3  }
0x34: {  	[smem:$0x3FB3] =	sst s10  }
0x35: {  	s10 =	sld [smem:$0x3FB2];
	_ =	sdelay $0x3  }
0x36: {  	p1 =	seq.s32 s10, $0x1;
	s10 =	sld [smem:$0x3FB3];
	_ =	sdelay $0x3  }
0x37: {  	[smem:$0x3FB3] =	sst s10  }
0x38: {  	s10 =	sld [smem:$0x3FB4]  }
0x39: {  	_ = 	snop;
	(pc) =	sbr.ind lr, $3  }
0x3a: {  	_ = 	snop  }
0x3b: {  	_ = 	snop  }
0x3c: {  	p2 =	seq.s32 s10, $0x1;
	s10 =	sld [smem:$0x3FB3]  }
0x3d: {  	_ =	shalt  }
0x3e: {  	_ =	shalt  }
0x3f: {  	_ =	shalt  }
0x40: {  	_ =	shalt  }
0x41: {  	_ =	shalt  }
0x42: {  	_ =	shalt  }
0x43: {  	_ =	shalt  }
0x44: {  	_ =	shalt  }
0x45: {  	_ =	shalt  }
0x46: {  	_ =	shalt  }
0x47: {  	_ =	shalt  }
0x48: {  	_ =	shalt  }
0x49: {  	_ =	shalt  }
0x4a: {  	_ =	shalt  }
0x4b: {  	_ =	shalt  }
0x4c: {  	_ =	shalt  }
0x4d: {  	_ =	shalt  }
0x4e: {  	_ =	shalt  }
0x4f: {  	_ =	shalt  }
0x50: {  	_ =	shalt  }
0x51: {  	_ =	shalt  }
0x52: {  	_ =	shalt  }
0x53: {  	_ =	shalt  }
0x54: {  	_ =	shalt  }
0x55: {  	_ =	shalt  }
0x56: {  	_ =	shalt  }
0x57: {  	_ =	shalt  }
0x58: {  	_ =	shalt  }
0x59: {  	_ =	shalt  }
0x5a: {  	_ =	shalt  }
0x5b: {  	_ =	shalt  }
0x5c: {  	_ =	shalt  }
0x5d: {  	_ =	shalt  }
0x5e: {  	_ =	shalt  }
0x5f: {  	_ =	shalt  }
0x60: {  	_ =	shalt  }
0x61: {  	_ =	shalt  }
0x62: {  	_ =	shalt  }
0x63: {  	_ =	shalt  }
0x64: {  	_ =	shalt  }
0x65: {  	_ =	shalt  }
0x66: {  	_ =	shalt  }
0x67: {  	_ =	shalt  }
0x68: {  	_ =	shalt  }
0x69: {  	_ =	shalt  }
0x6a: {  	_ =	shalt  }
0x6b: {  	_ =	shalt  }
0x6c: {  	_ =	shalt  }
0x6d: {  	_ =	shalt  }
0x6e: {  	_ =	shalt  }
0x6f: {  	_ =	shalt  }
0x70: {  	_ =	shalt  }
0x71: {  	_ =	shalt  }
0x72: {  	_ =	shalt  }
0x73: {  	_ =	shalt  }
0x74: {  	_ =	shalt  }
0x75: {  	_ =	shalt  }
0x76: {  	_ =	shalt  }
0x77: {  	_ =	shalt  }
0x78: {  	_ =	shalt  }
0x79: {  	_ =	shalt  }
0x7a: {  	_ =	shalt  }
0x7b: {  	_ =	shalt  }
0x7c: {  	_ =	shalt  }
0x7d: {  	_ =	shalt  }
0x7e: {  	_ =	shalt  }
0x7f: {  	_ =	shalt  }
0x80: {  	_ =	shalt  }
0x81: {  	_ =	shalt  }
0x82: {  	_ =	shalt  }
0x83: {  	_ =	shalt  }
0x84: {  	_ =	shalt  }
0x85: {  	_ =	shalt  }
0x86: {  	_ =	shalt  }
0x87: {  	_ =	shalt  }
.Lfunc_end0:
.L_simem_size_0:
called_computation.2_lowered:
.L_overlay_start_0:
0x88: {  	s2 =	sld [smem:$0x3FD9]  }
0x89: {  	s3 =	sld [smem:$0x3FFE];
	_ =	sdelay $0x1  }
0x8a: {  	s1 =	srdreg.scid  }
0x8b: {  	s0 =	sand.u32 $0x1, s1  }
0x8c: {  	s16 =	sshll.u32 s0, $0xA;
	s2 =	sadd.s32 s3, s2  }
0x8d: {  	s2 =	sadd.s32 s2, s16  }
0x8e: {  	[smem:$0x3FBF] =	sst s2  }
0x8f: {  	_ = 	snop  }
0x90: {  	(tm) =	ssettm $0x1  }
0x91: {  	s17 =	sld [smem:$0x3FFB];
	_ =	sdelay $0x3  }
0x92: {  	_ =	strace s17  }
0x93: {  	s2 =	sld [smem:$0x3FFC];
	_ =	sdelay $0x3  }
0x94: {  	_ =	strace s2  }
0x95: {  	s2 =	sld [smem:$0x3FFD];
	_ =	sdelay $0x3  }
0x96: {  	_ =	strace s2  }
0x97: {  	_ =	strace $0x8FFFFFFF  }
0x98: {  	s18 =	sld [smem:$0x3FDB];
	_ =	sdelay $0x1  }
0x99: {  	s19 =	simm.s32 $_scs_section_size  }
0x9a: {  	s4 =	simm.s32 $_size__tile_overlayer_lowered;
	s5 =	simm.s32 $_tile_overlayer_lowered  }
0x9b: {  	s22 =	simm.s32 $0x1BFF;
	s21 =	sshll.u32 s5, $0x1;
	s2 =	sadd.s32 s19, s18  }
0x9c: {  	s6 =	simm.s32 $0x0;
	s20 =	sshll.u32 s4, $0x1;
	s4 =	sadd.s32 s21, s2  }
0x9d: {  	[timem:s6], [sflag:s22] =	dma.local [hbm:s4], s20  }
0x9e: {  	_ =	swait.ge [sflag:s22], s20  }
0x9f: {  	s3 =	ssub.s32 $0x0, s20;
	[sflag:s22] =	ssyncset.done $0x0  }
0xa0: {  	[sflag:s22] =	ssyncadd.s32 s3;
	_ =	sdelay $0x1  }
0xa1: {  	s23 =	simm.s32 $0x1B8B  }
0xa2: {  	_ =	swait.ge [sflag:s23], $0x1  }
0xa3: {  	[sflag:s23] =	ssyncset.done $0x0  }
0xa4: {  	s25 =	simm.s32 $0x1B8E;
	s24 =	sld [smem:$0x3FFE];
	[sflag:s23] =	ssyncadd.s32 $0xFFFFFFFF  }
0xa5: {  	s26 =	simm.s32 $execute0_lowered;
	[smem:$0x3FD2] =	sst s25  }
0xa6: {  	s4 =	sshll.u32 s26, $0x1;
	_ =	strace $0x8000004C;
	[dreg:$0x1] =	wrdreg $0xFFFFFFFF  }
0xa7: {  	s28 =	simm.s32 $_size_execute0_lowered;
	s2 =	sadd.s32 s2, s4;
	[dreg:$0x0] =	wrdreg $0x0  }
0xa8: {  	s4 =	sshll.u32 s28, $0x1;
	[dreg:$0x2] =	wrdreg s2  }
0xa9: {  	[dreg:$0x3] =	wrdreg s4  }
0xaa: {  	[dreg:$0x4] =	wrdreg $0xC0  }
0xab: {  	_ =	task [dreg:s6], $0x5FFFF  }
0xac: {  	[dreg:$0x1] =	wrdreg $0xFFFFFFFF  }
0xad: {  	[dreg:$0x0] =	wrdreg $0x60  }
0xae: {  	[dreg:$0x2] =	wrdreg s24  }
0xaf: {  	[dreg:$0x3] =	wrdreg $0x9  }
0xb0: {  	_ =	task.clear_ibuf [dreg:s6], $0x4FFFF;
	_ =	strace $0x9000004C  }
0xb1: {  	s29 =	simm.s32 $0x9;
	_ =	strace $0x8000004E  }
0xb2: {  	_ =	swait.ge [sflag:s29], $0x1  }
0xb3: {  	[sflag:s29] =	ssyncadd.s32 $0xFFFFFFFF  }
0xb4: {  	_ =	strace $0x9000004E  }
0xb5: {  	_ =	sfence  }
0xb6: {  	s30 =	sld [smem:$0x0];
	_ =	sdelay $0x2  }
0xb7: {  	s31 =	sshll.u32 s1, $0xD;
	s1 =	sshrl.u32 s1, $0x2  }
0xb8: {  	s3 =	sand.u32 $0x4000, s31;
	s1 =	sadd.s32 s1, s30  }
0xb9: {  	s0 =	sor.u32 s3, s0;
	s1 =	sshll.u32 s1, $0x11  }
0xba: {  	s0 =	sor.u32 s1, s0  }
0xbb: {  	s0 =	sadd.s32 $0x8F2B, s0  }
0xbc: {  	[sflag:s0] =	ssyncadd.remote.s32 $0x1  }
0xbd: {  	_ =	sfence.sel $0xFFFF  }
0xbe: {  	[dreg:$0x0] =	wrdreg $0xFFFFFFFF;
	(pc) =	sbr.abs _section_cstart, $3  }
0xbf: {  	[dreg:$0x1] =	wrdreg $0xFFFFFFFF  }
0xc0: {  	_ =	task.clear_ibuf [dreg:s6], $0x2FFFF;
	_ =	strace $0x9FFFFFFF  }
0xc1: {  	(tm) =	ssettm $0x7FFFFFFF  }
tec
execute0_lowered:
.L_overlay_start_1:
0x0: {  	(tag) =	ssettag $0x1  }
0x1: {  	s6 =	rddreg [dreg:$0x0]  }
0x2: {  	s0 =	rddreg [dreg:$0x1]  }
0x3: {  	s1 =	stileid.u32;
	s2 =	simm.s32 $0x0;
	s4 =	srdreg.scid  }
0x4: {  	s14 =	simm.s32 $0x9C80;
	s15 =	simm.s32 $0x13900;
	s16 =	simm.s32 $0x15900  }
0x5: {  	s17 =	simm.s32 $0x1;
	s18 =	simm.s32 $0x2;
	s19 =	simm.s32 $0x17900  }
0x6: {  	s20 =	simm.s32 $0x19900;
	s21 =	simm.s32 $0x3;
	s22 =	simm.s32 $0x4  }
0x7: {  	s23 =	simm.s32 $0x0;
	s3 =	smul.u32 $0x1390, s1;
	[smem:$0x7FF] =	sst s2  }
0x8: {  	s5 =	sand.u32 $0x1, s4;
	s7 =	smul.u32 $0x13900, s1;
	s4 =	sadd.s32 $0x15A00, s6  }
0x9: {  	_ =	strace $0x8000004D;
	s8 =	smul.u32 $0x9C80, s5;
	s30 =	ssub.s32 $0x2, s5  }
0xa: {  	s10 =	smul.u32 $0x28000, s5;
	s5 =	sadd.s32 $0x29A00, s6;
	s9 =	sadd.s32 s3, s6  }
0xb: {  	s3 =	sadd.s32 $0x1FA00, s6;
	s11 =	sshrl.u32 s30, $0x1;
	s7 =	sadd.s32 s8, s7  }
0xc: {  	s13 =	ssub.s32 s30, s11;
	s31 =	sshrl.u32 s10, $0x3;
	s7 =	sshrl.u32 s7, $0x3  }
0xd: {  	s8 =	sadd.s32 s4, s31;
	s12 =	sadd.s32 s7, s6;
	s6 =	sadd.s32 $0x1400, s9  }
0xe: {  	s7 =	sadd.s32 s3, s31;
	s9 =	sor.u32 $0x2000, s10;
	s10 =	sor.u32 $0x4000, s10  }
0xf: {  	s11 =	sadd.s32 $0x2AE00, s12;
	s12 =	smax.u32 s13, $0x1;
	s13 =	simm.s32 $0x5  }
.LBB2_1:
0x10: {  	[tilespmem:s2], [sflag:$0x5] =	stream.linear.gather [hbm4b:s6+s2], $0x9C80, $0x38;
	[tilespmem:$0x1B900] =	vst v63  }
0x11: {  	_ =	swait.ge [sflag:s13], $0x9C80  }
0x12: {  	[sflag:s13] =	ssyncset.done $0x0  }
0x13: {  	[sflag:s13] =	ssyncadd.s32 $0xFFFF6380  }
0x14: {  	[tilespmem:s14], [sflag:$0x5] =	stream.linear.gather [hbm4b:s5+s2], $0x9C80, $0x38;
	[tilespmem:$0x1B900] =	vst v63  }
0x15: {  	_ =	swait.ge [sflag:s13], $0x9C80  }
0x16: {  	[sflag:s13] =	ssyncset.done $0x0  }
0x17: {  	[sflag:s13] =	ssyncadd.s32 $0xFFFF6380  }
0x18: {  	[tilespmem:s15], [sflag:$0x1] =	stream.linear.gather [hbm4b:s7+s2], $0x2000, $0x38;
	[tilespmem:$0x1B900] =	vst v63  }
0x19: {  	s24 =	simm.s32 $0x0  }
0x1a: {  	[tilespmem:s16], [sflag:$0x2] =	stream.linear.gather [hbm4b:s8+s2], $0x2000, $0x38;
	[tilespmem:$0x1B900] =	vst v63  }
.LBB2_2:
0x1b: {  	_ =	swait.ge [sflag:s17], $0x2000  }
0x1c: {  	[sflag:s17] =	ssyncset.done $0x0  }
0x1d: {  	s25 =	sshll.u32 s24, $0xE;
	[sflag:s17] =	ssyncadd.s32 $0xFFFFE000  }
0x1e: {  	s25 =	sadd.s32 s25, s9;
	_ =	swait.ge [sflag:s18], $0x2000  }
0x1f: {  	s25 =	sshrl.u32 s25, $0x3;
	[sflag:s18] =	ssyncset.done $0x0  }
0x20: {  	s28 =	simm.s32 $0x0;
	s26 =	sadd.s32 s3, s25;
	[sflag:s18] =	ssyncadd.s32 $0xFFFFE000  }
0x21: {  	[tilespmem:s19], [sflag:$0x3] =	stream.linear.gather [hbm4b:s26+s28], $0x2000, $0x38;
	[tilespmem:$0x1B900] =	vst v63  }
0x22: {  	s31 =	simm.s32 $0x0;
	s25 =	sadd.s32 s4, s25  }
0x23: {  	[tilespmem:s20], [sflag:$0x4] =	stream.linear.gather [hbm4b:s25+s28], $0x2000, $0x38;
	[tilespmem:$0x1B900] =	vst v63  }
0x24: {  	v0 =	vld [tilespmem:s31+$0x13910]  }
0x25: {  	v1 =	vld [tilespmem:s31+$0x13900]  }
0x26: {  	v4 =	vld [tilespmem:s31+$0x13920]  }
0x27: {  	v10 =	vld [tilespmem:s31+$0x13930]  }
0x28: {  	v2 =	vld [tilespmem:s31+$0x15930]  }
0x29: {  	v3 =	vld [tilespmem:s31+$0x15920]  }
0x2a: {  	v5 =	vld [tilespmem:s31+$0x15910]  }
0x2b: {  	v8 =	vld [tilespmem:s31+$0x15900];
	v6 =	vadd.s32 $0x4E40, v0  }
0x2c: {  	v7 =	vadd.s32 $0x7560, v0;
	v12 =	vld.idx.msk [tilespmem:v0+s2+$0x0], $0xffff  }
0x2d: {  	v9 =	vadd.s32 $0x2720, v1;
	v13 =	vld.idx.msk [tilespmem:v1+s2+$0x0], $0xffff  }
0x2e: {  	v11 =	vadd.s32 $0x7560, v1;
	v16 =	vld.idx.msk [tilespmem:v4+s2+$0x0], $0xffff  }
0x2f: {  	v14 =	vadd.s32 $0x7560, v4;
	v20 =	vld.idx.msk [tilespmem:v10+s2+$0x0], $0xffff  }
0x30: {  	v15 =	vadd.s32 $0x4E40, v4;
	v6 =	vld.idx.msk [tilespmem:v6+s2+$0x0], $0xffff  }
0x31: {  	v19 =	vadd.s32 $0x2720, v10;
	v7 =	vld.idx.msk [tilespmem:v7+s2+$0x0], $0xffff  }
0x32: {  	v0 =	vadd.s32 $0x2720, v0;
	v9 =	vld.idx.msk [tilespmem:v9+s2+$0x0], $0xffff  }
0x33: {  	v1 =	vadd.s32 $0x4E40, v1;
	v11 =	vld.idx.msk [tilespmem:v11+s2+$0x0], $0xffff  }
0x34: {  	v17 =	vadd.s32 $0x7560, v10;
	v14 =	vld.idx.msk [tilespmem:v14+s2+$0x0], $0xffff  }
0x35: {  	v4 =	vadd.s32 $0x2720, v4;
	v15 =	vld.idx.msk [tilespmem:v15+s2+$0x0], $0xffff  }
0x36: {  	v10 =	vadd.s32 $0x4E40, v10;
	v19 =	vld.idx.msk [tilespmem:v19+s2+$0x0], $0xffff  }
0x37: {  	v18 =	vld.idx.msk [tilespmem:v0+s2+$0x0], $0xffff  }
0x38: {  	v21 =	vadd.s32 $0x2720, v8;
	v1 =	vld.idx.msk [tilespmem:v1+s2+$0x0], $0xffff  }
0x39: {  	v58 =	vadd.s32 $0x4E40, v8;
	v0 =	vld.idx.msk [tilespmem:v17+s2+$0x0], $0xffff  }
0x3a: {  	v22 =	vadd.s32 $0x7560, v8;
	v4 =	vld.idx.msk [tilespmem:v4+s2+$0x0], $0xffff  }
0x3b: {  	v10 =	vld.idx.msk [tilespmem:v10+s2+$0x0], $0xffff  }
0x3c: {  	v23 =	vadd.s32 $0x2720, v5;
	[tilespmem:v8+s14+$0x0] =	vst.idx.add.f32.msk $0xffff, v13  }
0x3d: {  	v59 =	vadd.s32 $0x4E40, v5;
	[tilespmem:v21+s14+$0x0] =	vst.idx.add.f32.msk $0xffff, v9  }
0x3e: {  	v60 =	vadd.s32 $0x7560, v5;
	[tilespmem:v58+s14+$0x0] =	vst.idx.add.f32.msk $0xffff, v1  }
0x3f: {  	[tilespmem:v22+s14+$0x0] =	vst.idx.add.f32.msk $0xffff, v11  }
0x40: {  	v1 =	vadd.s32 $0x2720, v3;
	[tilespmem:v5+s14+$0x0] =	vst.idx.add.f32.msk $0xffff, v12  }
0x41: {  	v61 =	vadd.s32 $0x4E40, v3;
	[tilespmem:v23+s14+$0x0] =	vst.idx.add.f32.msk $0xffff, v18  }
0x42: {  	v62 =	vadd.s32 $0x7560, v3;
	[tilespmem:v59+s14+$0x0] =	vst.idx.add.f32.msk $0xffff, v6  }
0x43: {  	[tilespmem:v60+s14+$0x0] =	vst.idx.add.f32.msk $0xffff, v7  }
0x44: {  	v63 =	vadd.s32 $0x2720, v2;
	[tilespmem:v3+s14+$0x0] =	vst.idx.add.f32.msk $0xffff, v16  }
0x45: {  	v3 =	vadd.s32 $0x4E40, v2;
	[tilespmem:v1+s14+$0x0] =	vst.idx.add.f32.msk $0xffff, v4  }
0x46: {  	v1 =	vadd.s32 $0x7560, v2;
	[tilespmem:v61+s14+$0x0] =	vst.idx.add.f32.msk $0xffff, v15  }
0x47: {  	[tilespmem:v62+s14+$0x0] =	vst.idx.add.f32.msk $0xffff, v14  }
0x48: {  	[tilespmem:v2+s14+$0x0] =	vst.idx.add.f32.msk $0xffff, v20  }
0x49: {  	[tilespmem:v63+s14+$0x0] =	vst.idx.add.f32.msk $0xffff, v19  }
0x4a: {  	s25 =	simm.s32 $0x100;
	[tilespmem:v3+s14+$0x0] =	vst.idx.add.f32.msk $0xffff, v10  }
.LBB2_3:
0x4b: {  	s26 =	sshra.s32 s25, $0x2;
	p0 =	sne.s32 s25, $0x7F00;
	s25 =	sadd.s32 $0x100, s25;
	[tilespmem:v1+s14+$0x0] =	vst.idx.add.f32.msk $0xffff, v0  }
0x4c: {  	v0 =	vld [tilespmem:s26+$0x13910]  }
0x4d: {  	v1 =	vld [tilespmem:s26+$0x13900]  }
0x4e: {  	v2 =	vld [tilespmem:s26+$0x15930]  }
0x4f: {  	v3 =	vld [tilespmem:s26+$0x15920]  }
0x50: {  	v4 =	vld [tilespmem:s26+$0x13920]  }
0x51: {  	v5 =	vld [tilespmem:s26+$0x15910];
	v6 =	vadd.s32 $0x4E40, v0;
	v7 =	vadd.s32 $0x7560, v0  }
0x52: {  	v8 =	vld [tilespmem:s26+$0x15900];
	v9 =	vadd.s32 $0x2720, v1;
	v10 =	vadd.s32 $0x7560, v1  }
0x53: {  	v11 =	vadd.s32 $0x4E40, v1;
	v12 =	vld [tilespmem:s26+$0x13930]  }
0x54: {  	v13 =	vld.idx.msk [tilespmem:v0+s2+$0x0], $0xffff;
	v0 =	vadd.s32 $0x2720, v0  }
0x55: {  	v1 =	vld.idx.msk [tilespmem:v1+s2+$0x0], $0xffff;
	v14 =	vadd.s32 $0x2720, v4;
	v15 =	vadd.s32 $0x4E40, v4;
	v16 =	vadd.s32 $0x7560, v4  }
0x56: {  	v6 =	vld.idx.msk [tilespmem:v6+s2+$0x0], $0xffff  }
0x57: {  	v7 =	vld.idx.msk [tilespmem:v7+s2+$0x0], $0xffff  }
0x58: {  	v9 =	vld.idx.msk [tilespmem:v9+s2+$0x0], $0xffff  }
0x59: {  	v17 =	vadd.s32 $0x2720, v12;
	v18 =	vadd.s32 $0x4E40, v12;
	v19 =	vadd.s32 $0x7560, v12;
	v10 =	vld.idx.msk [tilespmem:v10+s2+$0x0], $0xffff  }
0x5a: {  	v4 =	vld.idx.msk [tilespmem:v4+s2+$0x0], $0xffff  }
0x5b: {  	v20 =	vld.idx.msk [tilespmem:v0+s2+$0x0], $0xffff  }
0x5c: {  	v16 =	vld.idx.msk [tilespmem:v16+s2+$0x0], $0xffff  }
0x5d: {  	v12 =	vld.idx.msk [tilespmem:v12+s2+$0x0], $0xffff  }
0x5e: {  	v11 =	vld.idx.msk [tilespmem:v11+s2+$0x0], $0xffff  }
0x5f: {  	v15 =	vld.idx.msk [tilespmem:v15+s2+$0x0], $0xffff  }
0x60: {  	v21 =	vadd.s32 $0x2720, v8;
	v0 =	vld.idx.msk [tilespmem:v19+s2+$0x0], $0xffff  }
0x61: {  	v19 =	vadd.s32 $0x4E40, v8;
	v17 =	vld.idx.msk [tilespmem:v17+s2+$0x0], $0xffff  }
0x62: {  	v22 =	vadd.s32 $0x7560, v8;
	v14 =	vld.idx.msk [tilespmem:v14+s2+$0x0], $0xffff  }
0x63: {  	v18 =	vld.idx.msk [tilespmem:v18+s2+$0x0], $0xffff  }
0x64: {  	v23 =	vadd.s32 $0x2720, v5;
	[tilespmem:v8+s14+$0x0] =	vst.idx.add.f32.msk $0xffff, v1  }
0x65: {  	v1 =	vadd.s32 $0x4E40, v5;
	[tilespmem:v21+s14+$0x0] =	vst.idx.add.f32.msk $0xffff, v9  }
0x66: {  	v8 =	vadd.s32 $0x7560, v5;
	[tilespmem:v19+s14+$0x0] =	vst.idx.add.f32.msk $0xffff, v11  }
0x67: {  	[tilespmem:v22+s14+$0x0] =	vst.idx.add.f32.msk $0xffff, v10  }
0x68: {  	v9 =	vadd.s32 $0x2720, v3;
	[tilespmem:v5+s14+$0x0] =	vst.idx.add.f32.msk $0xffff, v13  }
0x69: {  	v5 =	vadd.s32 $0x4E40, v3;
	[tilespmem:v23+s14+$0x0] =	vst.idx.add.f32.msk $0xffff, v20  }
0x6a: {  	v10 =	vadd.s32 $0x7560, v3;
	[tilespmem:v1+s14+$0x0] =	vst.idx.add.f32.msk $0xffff, v6  }
0x6b: {  	[tilespmem:v8+s14+$0x0] =	vst.idx.add.f32.msk $0xffff, v7  }
0x6c: {  	v6 =	vadd.s32 $0x2720, v2;
	[tilespmem:v3+s14+$0x0] =	vst.idx.add.f32.msk $0xffff, v4  }
0x6d: {  	v3 =	vadd.s32 $0x4E40, v2;
	[tilespmem:v9+s14+$0x0] =	vst.idx.add.f32.msk $0xffff, v14  }
.Ltmp0:
0x6e: {  	v1 =	vadd.s32 $0x7560, v2;
	[tilespmem:v5+s14+$0x0] =	vst.idx.add.f32.msk $0xffff, v15;
	(pc) =	sbr.rel @p0 .LBB2_3-.Ltmp0, $4  }
0x6f: {  	[tilespmem:v10+s14+$0x0] =	vst.idx.add.f32.msk $0xffff, v16  }
0x70: {  	[tilespmem:v2+s14+$0x0] =	vst.idx.add.f32.msk $0xffff, v12  }
0x71: {  	[tilespmem:v6+s14+$0x0] =	vst.idx.add.f32.msk $0xffff, v17  }
0x72: {  	[tilespmem:v3+s14+$0x0] =	vst.idx.add.f32.msk $0xffff, v18  }
0x73: {  	_ =	sdelay $0x3  }
0x74: {  	[tilespmem:v1+s14+$0x0] =	vst.idx.add.f32.msk $0xffff, v0  }
0x75: {  	s25 =	sshll.u32 s24, $0x1;
	_ =	swait.ge [sflag:s21], $0x2000  }
0x76: {  	s25 =	smin.u32 s25, $0x11;
	[sflag:s21] =	ssyncset.done $0x0  }
0x77: {  	s25 =	sshll.u32 s25, $0xD;
	[sflag:s21] =	ssyncadd.s32 $0xFFFFE000  }
0x78: {  	s25 =	sadd.s32 s25, s10;
	_ =	swait.ge [sflag:s22], $0x2000  }
0x79: {  	s25 =	sshrl.u32 s25, $0x3;
	[sflag:s22] =	ssyncset.done $0x0  }
0x7a: {  	s28 =	simm.s32 $0x0;
	s26 =	sadd.s32 s3, s25;
	[sflag:s22] =	ssyncadd.s32 $0xFFFFE000  }
0x7b: {  	[tilespmem:s15], [sflag:$0x1] =	stream.linear.gather [hbm4b:s26+s28], $0x2000, $0x38;
	[tilespmem:$0x1B900] =	vst v63  }
0x7c: {  	s31 =	simm.s32 $0x0;
	s25 =	sadd.s32 s4, s25  }
0x7d: {  	[tilespmem:s16], [sflag:$0x2] =	stream.linear.gather [hbm4b:s25+s28], $0x2000, $0x38;
	[tilespmem:$0x1B900] =	vst v63  }
0x7e: {  	v0 =	vld [tilespmem:s31+$0x17910]  }
0x7f: {  	v1 =	vld [tilespmem:s31+$0x17900]  }
0x80: {  	v4 =	vld [tilespmem:s31+$0x17920]  }
0x81: {  	v10 =	vld [tilespmem:s31+$0x17930]  }
0x82: {  	v2 =	vld [tilespmem:s31+$0x19930]  }
0x83: {  	v3 =	vld [tilespmem:s31+$0x19920]  }
0x84: {  	v5 =	vld [tilespmem:s31+$0x19910]  }
0x85: {  	v8 =	vld [tilespmem:s31+$0x19900];
	v6 =	vadd.s32 $0x4E40, v0  }
0x86: {  	v7 =	vadd.s32 $0x7560, v0;
	v12 =	vld.idx.msk [tilespmem:v0+s2+$0x0], $0xffff  }
0x87: {  	v9 =	vadd.s32 $0x2720, v1;
	v13 =	vld.idx.msk [tilespmem:v1+s2+$0x0], $0xffff  }
0x88: {  	v11 =	vadd.s32 $0x7560, v1;
	v16 =	vld.idx.msk [tilespmem:v4+s2+$0x0], $0xffff  }
0x89: {  	v14 =	vadd.s32 $0x7560, v4;
	v20 =	vld.idx.msk [tilespmem:v10+s2+$0x0], $0xffff  }
0x8a: {  	v15 =	vadd.s32 $0x4E40, v4;
	v6 =	vld.idx.msk [tilespmem:v6+s2+$0x0], $0xffff  }
0x8b: {  	v19 =	vadd.s32 $0x2720, v10;
	v7 =	vld.idx.msk [tilespmem:v7+s2+$0x0], $0xffff  }
0x8c: {  	v0 =	vadd.s32 $0x2720, v0;
	v9 =	vld.idx.msk [tilespmem:v9+s2+$0x0], $0xffff  }
0x8d: {  	v1 =	vadd.s32 $0x4E40, v1;
	v11 =	vld.idx.msk [tilespmem:v11+s2+$0x0], $0xffff  }
0x8e: {  	v17 =	vadd.s32 $0x7560, v10;
	v14 =	vld.idx.msk [tilespmem:v14+s2+$0x0], $0xffff  }
0x8f: {  	v4 =	vadd.s32 $0x2720, v4;
	v15 =	vld.idx.msk [tilespmem:v15+s2+$0x0], $0xffff  }
0x90: {  	v10 =	vadd.s32 $0x4E40, v10;
	v19 =	vld.idx.msk [tilespmem:v19+s2+$0x0], $0xffff  }
0x91: {  	v18 =	vld.idx.msk [tilespmem:v0+s2+$0x0], $0xffff  }
0x92: {  	v21 =	vadd.s32 $0x2720, v8;
	v1 =	vld.idx.msk [tilespmem:v1+s2+$0x0], $0xffff  }
0x93: {  	v58 =	vadd.s32 $0x4E40, v8;
	v0 =	vld.idx.msk [tilespmem:v17+s2+$0x0], $0xffff  }
0x94: {  	v22 =	vadd.s32 $0x7560, v8;
	v4 =	vld.idx.msk [tilespmem:v4+s2+$0x0], $0xffff  }
0x95: {  	v10 =	vld.idx.msk [tilespmem:v10+s2+$0x0], $0xffff  }
0x96: {  	v23 =	vadd.s32 $0x2720, v5;
	[tilespmem:v8+s14+$0x0] =	vst.idx.add.f32.msk $0xffff, v13  }
0x97: {  	v59 =	vadd.s32 $0x4E40, v5;
	[tilespmem:v21+s14+$0x0] =	vst.idx.add.f32.msk $0xffff, v9  }
0x98: {  	v60 =	vadd.s32 $0x7560, v5;
	[tilespmem:v58+s14+$0x0] =	vst.idx.add.f32.msk $0xffff, v1  }
0x99: {  	[tilespmem:v22+s14+$0x0] =	vst.idx.add.f32.msk $0xffff, v11  }
0x9a: {  	v1 =	vadd.s32 $0x2720, v3;
	[tilespmem:v5+s14+$0x0] =	vst.idx.add.f32.msk $0xffff, v12  }
0x9b: {  	v61 =	vadd.s32 $0x4E40, v3;
	[tilespmem:v23+s14+$0x0] =	vst.idx.add.f32.msk $0xffff, v18  }
0x9c: {  	v62 =	vadd.s32 $0x7560, v3;
	[tilespmem:v59+s14+$0x0] =	vst.idx.add.f32.msk $0xffff, v6  }
0x9d: {  	[tilespmem:v60+s14+$0x0] =	vst.idx.add.f32.msk $0xffff, v7  }
0x9e: {  	v63 =	vadd.s32 $0x2720, v2;
	[tilespmem:v3+s14+$0x0] =	vst.idx.add.f32.msk $0xffff, v16  }
0x9f: {  	v3 =	vadd.s32 $0x4E40, v2;
	[tilespmem:v1+s14+$0x0] =	vst.idx.add.f32.msk $0xffff, v4  }
0xa0: {  	v1 =	vadd.s32 $0x7560, v2;
	[tilespmem:v61+s14+$0x0] =	vst.idx.add.f32.msk $0xffff, v15  }
0xa1: {  	[tilespmem:v62+s14+$0x0] =	vst.idx.add.f32.msk $0xffff, v14  }
0xa2: {  	[tilespmem:v2+s14+$0x0] =	vst.idx.add.f32.msk $0xffff, v20  }
0xa3: {  	[tilespmem:v63+s14+$0x0] =	vst.idx.add.f32.msk $0xffff, v19  }
0xa4: {  	s25 =	simm.s32 $0x100;
	[tilespmem:v3+s14+$0x0] =	vst.idx.add.f32.msk $0xffff, v10  }
.LBB2_5:
0xa5: {  	s26 =	sshra.s32 s25, $0x2;
	p0 =	sne.s32 s25, $0x7F00;
	s25 =	sadd.s32 $0x100, s25;
	[tilespmem:v1+s14+$0x0] =	vst.idx.add.f32.msk $0xffff, v0  }
0xa6: {  	v0 =	vld [tilespmem:s26+$0x17910]  }
0xa7: {  	v1 =	vld [tilespmem:s26+$0x17900]  }
0xa8: {  	v2 =	vld [tilespmem:s26+$0x19930]  }
0xa9: {  	v3 =	vld [tilespmem:s26+$0x19920]  }
0xaa: {  	v4 =	vld [tilespmem:s26+$0x17920]  }
0xab: {  	v5 =	vld [tilespmem:s26+$0x19910];
	v6 =	vadd.s32 $0x4E40, v0;
	v7 =	vadd.s32 $0x7560, v0  }
0xac: {  	v8 =	vld [tilespmem:s26+$0x19900];
	v9 =	vadd.s32 $0x2720, v1;
	v10 =	vadd.s32 $0x7560, v1  }
0xad: {  	v11 =	vadd.s32 $0x4E40, v1;
	v12 =	vld [tilespmem:s26+$0x17930]  }
0xae: {  	v13 =	vld.idx.msk [tilespmem:v0+s2+$0x0], $0xffff;
	v0 =	vadd.s32 $0x2720, v0  }
0xaf: {  	v1 =	vld.idx.msk [tilespmem:v1+s2+$0x0], $0xffff;
	v14 =	vadd.s32 $0x2720, v4;
	v15 =	vadd.s32 $0x4E40, v4;
	v16 =	vadd.s32 $0x7560, v4  }
0xb0: {  	v6 =	vld.idx.msk [tilespmem:v6+s2+$0x0], $0xffff  }
0xb1: {  	v7 =	vld.idx.msk [tilespmem:v7+s2+$0x0], $0xffff  }
0xb2: {  	v9 =	vld.idx.msk [tilespmem:v9+s2+$0x0], $0xffff  }
0xb3: {  	v17 =	vadd.s32 $0x2720, v12;
	v18 =	vadd.s32 $0x4E40, v12;
	v19 =	vadd.s32 $0x7560, v12;
	v10 =	vld.idx.msk [tilespmem:v10+s2+$0x0], $0xffff  }
0xb4: {  	v4 =	vld.idx.msk [tilespmem:v4+s2+$0x0], $0xffff  }
0xb5: {  	v20 =	vld.idx.msk [tilespmem:v0+s2+$0x0], $0xffff  }
0xb6: {  	v16 =	vld.idx.msk [tilespmem:v16+s2+$0x0], $0xffff  }
0xb7: {  	v12 =	vld.idx.msk [tilespmem:v12+s2+$0x0], $0xffff  }
0xb8: {  	v11 =	vld.idx.msk [tilespmem:v11+s2+$0x0], $0xffff  }
0xb9: {  	v15 =	vld.idx.msk [tilespmem:v15+s2+$0x0], $0xffff  }
0xba: {  	v21 =	vadd.s32 $0x2720, v8;
	v0 =	vld.idx.msk [tilespmem:v19+s2+$0x0], $0xffff  }
0xbb: {  	v19 =	vadd.s32 $0x4E40, v8;
	v17 =	vld.idx.msk [tilespmem:v17+s2+$0x0], $0xffff  }
0xbc: {  	v22 =	vadd.s32 $0x7560, v8;
	v14 =	vld.idx.msk [tilespmem:v14+s2+$0x0], $0xffff  }
0xbd: {  	v18 =	vld.idx.msk [tilespmem:v18+s2+$0x0], $0xffff  }
0xbe: {  	v23 =	vadd.s32 $0x2720, v5;
	[tilespmem:v8+s14+$0x0] =	vst.idx.add.f32.msk $0xffff, v1  }
0xbf: {  	v1 =	vadd.s32 $0x4E40, v5;
	[tilespmem:v21+s14+$0x0] =	vst.idx.add.f32.msk $0xffff, v9  }
0xc0: {  	v8 =	vadd.s32 $0x7560, v5;
	[tilespmem:v19+s14+$0x0] =	vst.idx.add.f32.msk $0xffff, v11  }
0xc1: {  	[tilespmem:v22+s14+$0x0] =	vst.idx.add.f32.msk $0xffff, v10  }
0xc2: {  	v9 =	vadd.s32 $0x2720, v3;
	[tilespmem:v5+s14+$0x0] =	vst.idx.add.f32.msk $0xffff, v13  }
0xc3: {  	v5 =	vadd.s32 $0x4E40, v3;
	[tilespmem:v23+s14+$0x0] =	vst.idx.add.f32.msk $0xffff, v20  }
0xc4: {  	v10 =	vadd.s32 $0x7560, v3;
	[tilespmem:v1+s14+$0x0] =	vst.idx.add.f32.msk $0xffff, v6  }
0xc5: {  	[tilespmem:v8+s14+$0x0] =	vst.idx.add.f32.msk $0xffff, v7  }
0xc6: {  	v6 =	vadd.s32 $0x2720, v2;
	[tilespmem:v3+s14+$0x0] =	vst.idx.add.f32.msk $0xffff, v4  }
0xc7: {  	v3 =	vadd.s32 $0x4E40, v2;
	[tilespmem:v9+s14+$0x0] =	vst.idx.add.f32.msk $0xffff, v14  }
.Ltmp1:
0xc8: {  	v1 =	vadd.s32 $0x7560, v2;
	[tilespmem:v5+s14+$0x0] =	vst.idx.add.f32.msk $0xffff, v15;
	(pc) =	sbr.rel @p0 .LBB2_5-.Ltmp1, $4  }
0xc9: {  	[tilespmem:v10+s14+$0x0] =	vst.idx.add.f32.msk $0xffff, v16  }
0xca: {  	[tilespmem:v2+s14+$0x0] =	vst.idx.add.f32.msk $0xffff, v12  }
0xcb: {  	[tilespmem:v6+s14+$0x0] =	vst.idx.add.f32.msk $0xffff, v17  }
0xcc: {  	[tilespmem:v3+s14+$0x0] =	vst.idx.add.f32.msk $0xffff, v18  }
0xcd: {  	s24 =	sadd.s32 $0x1, s24  }
0xce: {  	p0 =	sne.s32 s24, $0xA  }
.Ltmp2:
0xcf: {  	_ = 	snop;
	(pc) =	sbr.rel @p0 .LBB2_2-.Ltmp2, $2  }
0xd0: {  	_ =	sdelay $0x2  }
0xd1: {  	[tilespmem:v1+s14+$0x0] =	vst.idx.add.f32.msk $0xffff, v0  }
0xd2: {  	_ =	swait.ge [sflag:s17], $0x2000  }
0xd3: {  	[sflag:s17] =	ssyncset.done $0x0  }
0xd4: {  	[sflag:s17] =	ssyncadd.s32 $0xFFFFE000  }
0xd5: {  	s23 =	sadd.s32 $0x1, s23;
	_ =	swait.ge [sflag:s18], $0x2000  }
0xd6: {  	p0 =	sne.s32 s23, s12;
	[sflag:s18] =	ssyncset.done $0x0  }
.Ltmp3:
0xd7: {  	[sflag:s18] =	ssyncadd.s32 $0xFFFFE000;
	(pc) =	sbr.rel @p0 .LBB2_1-.Ltmp3, $4  }
0xd8: {  	[hbm4b:s11+s2] =	stream.linear.scatter [tilespmem:s14], [sflag:$0x5], $0x9C80, $0x38;
	[tilespmem:$0x1B900] =	vst v63  }
0xd9: {  	_ =	swait.ge [sflag:s13], $0x9C80  }
0xda: {  	[sflag:s13] =	ssyncset.done $0x0  }
0xdb: {  	[sflag:s13] =	ssyncadd.s32 $0xFFFF6380  }
0xdc: {  	_ =	sfence.sel $0x180000  }
0xdd: {  	[bflag:$0x0] =	sbarrier.arrive $0xFFFF  }
0xde: {  	p0 =	sne.s32 s1, $0x0;
	_ =	strace $0x9000004D  }
0xdf: {  	s0 =	sadd.s32 @!p0 $0x100000, s0;
	[bflag:$0x2] =	sbarrier.arrive $0xFFFF  }
0xe0: {  	[sflag:s0] =	ssyncadd.tile.s32 @!p0 $0x1;
	_ =	shalt  }
.Lfunc_end2:
_tile_overlayer_lowered:
.L_overlay_start_2:
0xe1: {  	(tag) =	ssettag $0x2  }
0xe2: {  	s0 =	rddreg [dreg:$0x0];
	s2 =	stileid.u32  }
0xe3: {  	s1 =	rddreg [dreg:$0x1];
	p0 =	sne.s32 s2, $0x0  }
0xe4: {  	s3 =	rddreg [dreg:$0x2];
	[bflag:$0x3] =	sbarrier.arrive $0xFFFF;
	s2 =	simm.s32 @!p0 $0x1C05  }
0xe5: {  	[timem:s3], [sflag:s2] =	dma.local @!p0 [hbm:s0], s1  }
0xe6: {  	s0 =	simm.s32 @!p0 $0x5  }
0xe7: {  	_ =	swait.ge @!p0 [sflag:s0], s1  }
0xe8: {  	s1 =	ssub.s32 @!p0 $0x0, s1;
	[sflag:s0] =	ssyncset.done @!p0 $0x0  }
0xe9: {  	[sflag:s0] =	ssyncadd.s32 @!p0 s1  }
0xea: {  	[bflag:$0x3] =	sbarrier.arrive $0xFFFF  }
0xeb: {  	_ =	shalt  }

// kernel: kernel.8.cloned.1.call-start
scs
__scs_entry_jumppad:
0x0: {  	(pc) =	sbr.rel $0x88, $3  }
0x1: {  	(tag) =	ssettag $0x0;
	lr =	simm.s32 $0x1  }
0x2: {  	[smem:$0x3F98] =	sst lr;
	_ =	strace $0xD0000000  }
0x3: {  	_ = 	snop  }
0x4: {  	_ = 	snop  }
0x5: {  	_ = 	snop  }
0x6: {  	_ = 	snop  }
0x7: {  	_ = 	snop  }
__scs_overlays_trampoline_lowered:
0x8: {  	[smem:$0x3FA7] =	sst s0  }
0x9: {  	[smem:$0x3FA8] =	sst s1  }
0xa: {  	[smem:$0x3FA9] =	sst s2  }
0xb: {  	[smem:$0x3FAA] =	sst s3  }
0xc: {  	[smem:$0x3FAB] =	sst s4  }
0xd: {  	[smem:$0x3FAC] =	sst s5  }
0xe: {  	[smem:$0x3FAD] =	sst s6  }
0xf: {  	[smem:$0x3FAE] =	sst s7  }
0x10: {  	[smem:$0x3FAF] =	sst s8  }
0x11: {  	[smem:$0x3FB0] =	sst s9;
	s0 =	simm.s32 @!p0 $0x0  }
0x12: {  	s1 =	sld [smem:$0x3F96];
	s0 =	simm.s32 @p0 $0x1  }
0x13: {  	[smem:$0x3FB1] =	sst s0;
	s0 =	simm.s32 @!p1 $0x0  }
0x14: {  	s2 =	sld [smem:$0x3F95];
	s0 =	simm.s32 @p1 $0x1  }
0x15: {  	[smem:$0x3FB2] =	sst s0;
	s0 =	simm.s32 @!p2 $0x0  }
0x16: {  	s3 =	sld [smem:$0x3FDB];
	s0 =	simm.s32 @p2 $0x1  }
0x17: {  	s4 =	simm.s32 $0x1BF5;
	[smem:$0x3FB4] =	sst s0  }
0x18: {  	s0 =	sld [smem:$0x3F97];
	_ =	swait.ge [sflag:s4], $0x0  }
0x19: {  	s7 =	sld [smem:$0x3F98]  }
0x1a: {  	s8 =	sadd.s32 $0xFFFFE003, lr  }
0x1b: {  	s9 =	sadd.s32 $0xFFFFFEF7, lr;
	s5 =	simm.s32 $0xFFFFFFFF;
	p2 =	slt.u32 s8, $0xFFFFF086  }
0x1c: {  	p1 =	slt.u32 s9, $0xF7A;
	s5 =	simm.s32 @!p2 $0x0  }
0x1d: {  	s5 =	simm.s32 @p1 $0x1;
	p0 =	seq.s32 s7, s2  }
0x1e: {  	s7 =	smul.u32 @!p0 $0xF7A, s2;
	p2 =	seq.s32 @!p0 s5, $0x0  }
0x1f: {  	s9 =	smul.u32 $0xF7A, s1;
	s8 =	simm.s32 @!p0 $0x1BF5;
	p2 =	por !p2, p0  }
0x20: {  	[sflag:s8] =	ssyncset.s32 @!p0 $0xFFFFF086;
	s6 =	sadd.s32 @!p0 s3, s7;
	s7 =	simm.s32 @!p0 $0x108  }
0x21: {  	s3 =	sadd.s32 s3, s9;
	s6 =	sadd.s32 @!p0 $0x88, s6;
	s7 =	simm.s32 @p2 $0x1082  }
0x22: {  	[simem:s7], [sflag:s8] =	dma.local @!p0 [hbm:s6], $0xF7A  }
0x23: {  	s9 =	sor.u32 $0xD0000000, s2;
	s6 =	simm.s32 $0x108;
	_ =	swait.ge @!p0 [sflag:s8], $0x0  }
0x24: {  	s3 =	sadd.s32 $0x88, s3;
	s6 =	simm.s32 @!p1 $0x1082;
	[sflag:s4] =	ssyncset.s32 $0xFFFFF086  }
0x25: {  	[simem:s6], [sflag:s4] =	dma.local [hbm:s3], $0xF7A  }
0x26: {  	[smem:$0x3F98] =	sst s1;
	(tag) =	ssettag s2;
	_ =	strace s9  }
0x27: {  	s1 =	sld [smem:$0x3FA8]  }
0x28: {  	s2 =	sld [smem:$0x3FA9]  }
0x29: {  	s4 =	sld [smem:$0x3FAB]  }
0x2a: {  	p0 =	seq.s32 s5, $0x0;
	s5 =	sld [smem:$0x3FAC]  }
0x2b: {  	s6 =	sld [smem:$0x3FAD]  }
0x2c: {  	s7 =	sld [smem:$0x3FAE]  }
0x2d: {  	s3 =	simm.s32 $0x108;
	s8 =	sld [smem:$0x3FAF]  }
0x2e: {  	s3 =	simm.s32 @!p0 $0x1082;
	s9 =	sld [smem:$0x3FB0]  }
0x2f: {  	lr =	sadd.s32 s0, s3;
	s0 =	sld [smem:$0x3FA7]  }
0x30: {  	s3 =	sld [smem:$0x3FAA]  }
0x31: {  	[smem:$0x3FB3] =	sst s10  }
0x32: {  	s10 =	sld [smem:$0x3FB1];
	_ =	sdelay $0x3  }
0x33: {  	p0 =	seq.s32 s10, $0x1;
	s10 =	sld [smem:$0x3FB3];
	_ =	sdelay $0x3  }
0x34: {  	[smem:$0x3FB3] =	sst s10  }
0x35: {  	s10 =	sld [smem:$0x3FB2];
	_ =	sdelay $0x3  }
0x36: {  	p1 =	seq.s32 s10, $0x1;
	s10 =	sld [smem:$0x3FB3];
	_ =	sdelay $0x3  }
0x37: {  	[smem:$0x3FB3] =	sst s10  }
0x38: {  	s10 =	sld [smem:$0x3FB4]  }
0x39: {  	_ = 	snop;
	(pc) =	sbr.ind lr, $3  }
0x3a: {  	_ = 	snop  }
0x3b: {  	_ = 	snop  }
0x3c: {  	p2 =	seq.s32 s10, $0x1;
	s10 =	sld [smem:$0x3FB3]  }
0x3d: {  	_ =	shalt  }
0x3e: {  	_ =	shalt  }
0x3f: {  	_ =	shalt  }
0x40: {  	_ =	shalt  }
0x41: {  	_ =	shalt  }
0x42: {  	_ =	shalt  }
0x43: {  	_ =	shalt  }
0x44: {  	_ =	shalt  }
0x45: {  	_ =	shalt  }
0x46: {  	_ =	shalt  }
0x47: {  	_ =	shalt  }
0x48: {  	_ =	shalt  }
0x49: {  	_ =	shalt  }
0x4a: {  	_ =	shalt  }
0x4b: {  	_ =	shalt  }
0x4c: {  	_ =	shalt  }
0x4d: {  	_ =	shalt  }
0x4e: {  	_ =	shalt  }
0x4f: {  	_ =	shalt  }
0x50: {  	_ =	shalt  }
0x51: {  	_ =	shalt  }
0x52: {  	_ =	shalt  }
0x53: {  	_ =	shalt  }
0x54: {  	_ =	shalt  }
0x55: {  	_ =	shalt  }
0x56: {  	_ =	shalt  }
0x57: {  	_ =	shalt  }
0x58: {  	_ =	shalt  }
0x59: {  	_ =	shalt  }
0x5a: {  	_ =	shalt  }
0x5b: {  	_ =	shalt  }
0x5c: {  	_ =	shalt  }
0x5d: {  	_ =	shalt  }
0x5e: {  	_ =	shalt  }
0x5f: {  	_ =	shalt  }
0x60: {  	_ =	shalt  }
0x61: {  	_ =	shalt  }
0x62: {  	_ =	shalt  }
0x63: {  	_ =	shalt  }
0x64: {  	_ =	shalt  }
0x65: {  	_ =	shalt  }
0x66: {  	_ =	shalt  }
0x67: {  	_ =	shalt  }
0x68: {  	_ =	shalt  }
0x69: {  	_ =	shalt  }
0x6a: {  	_ =	shalt  }
0x6b: {  	_ =	shalt  }
0x6c: {  	_ =	shalt  }
0x6d: {  	_ =	shalt  }
0x6e: {  	_ =	shalt  }
0x6f: {  	_ =	shalt  }
0x70: {  	_ =	shalt  }
0x71: {  	_ =	shalt  }
0x72: {  	_ =	shalt  }
0x73: {  	_ =	shalt  }
0x74: {  	_ =	shalt  }
0x75: {  	_ =	shalt  }
0x76: {  	_ =	shalt  }
0x77: {  	_ =	shalt  }
0x78: {  	_ =	shalt  }
0x79: {  	_ =	shalt  }
0x7a: {  	_ =	shalt  }
0x7b: {  	_ =	shalt  }
0x7c: {  	_ =	shalt  }
0x7d: {  	_ =	shalt  }
0x7e: {  	_ =	shalt  }
0x7f: {  	_ =	shalt  }
0x80: {  	_ =	shalt  }
0x81: {  	_ =	shalt  }
0x82: {  	_ =	shalt  }
0x83: {  	_ =	shalt  }
0x84: {  	_ =	shalt  }
0x85: {  	_ =	shalt  }
0x86: {  	_ =	shalt  }
0x87: {  	_ =	shalt  }
.Lfunc_end0:
.L_simem_size_0:
called_computation_lowered:
.L_overlay_start_0:
0x88: {  	s2 =	sld [smem:$0x3FD9]  }
0x89: {  	s3 =	sld [smem:$0x3FFE];
	_ =	sdelay $0x1  }
0x8a: {  	s1 =	srdreg.scid  }
0x8b: {  	s0 =	sand.u32 $0x1, s1  }
0x8c: {  	s16 =	sshll.u32 s0, $0xA;
	s2 =	sadd.s32 s3, s2  }
0x8d: {  	s2 =	sadd.s32 s2, s16  }
0x8e: {  	[smem:$0x3FBF] =	sst s2  }
0x8f: {  	_ = 	snop  }
0x90: {  	(tm) =	ssettm $0x1  }
0x91: {  	s17 =	sld [smem:$0x3FFB];
	_ =	sdelay $0x3  }
0x92: {  	_ =	strace s17  }
0x93: {  	s2 =	sld [smem:$0x3FFC];
	_ =	sdelay $0x3  }
0x94: {  	_ =	strace s2  }
0x95: {  	s2 =	sld [smem:$0x3FFD];
	_ =	sdelay $0x3  }
0x96: {  	_ =	strace s2  }
0x97: {  	_ =	strace $0x8FFFFFFF  }
0x98: {  	s18 =	sld [smem:$0x3FDB];
	_ =	sdelay $0x1  }
0x99: {  	s19 =	simm.s32 $_scs_section_size  }
0x9a: {  	s4 =	simm.s32 $_size__tile_overlayer_lowered;
	s5 =	simm.s32 $_tile_overlayer_lowered  }
0x9b: {  	s22 =	simm.s32 $0x1BFF;
	s21 =	sshll.u32 s5, $0x1;
	s2 =	sadd.s32 s19, s18  }
0x9c: {  	s6 =	simm.s32 $0x0;
	s20 =	sshll.u32 s4, $0x1;
	s4 =	sadd.s32 s21, s2  }
0x9d: {  	[timem:s6], [sflag:s22] =	dma.local [hbm:s4], s20  }
0x9e: {  	_ =	swait.ge [sflag:s22], s20  }
0x9f: {  	s3 =	ssub.s32 $0x0, s20;
	[sflag:s22] =	ssyncset.done $0x0  }
0xa0: {  	[sflag:s22] =	ssyncadd.s32 s3;
	_ =	sdelay $0x1  }
0xa1: {  	s23 =	simm.s32 $0x1B8B  }
0xa2: {  	_ =	swait.ge [sflag:s23], $0x1  }
0xa3: {  	[sflag:s23] =	ssyncset.done $0x0  }
0xa4: {  	s25 =	simm.s32 $0x1B8E;
	s24 =	sld [smem:$0x3FFE];
	[sflag:s23] =	ssyncadd.s32 $0xFFFFFFFF  }
0xa5: {  	s26 =	simm.s32 $execute0_lowered;
	[smem:$0x3FD2] =	sst s25  }
0xa6: {  	s4 =	sshll.u32 s26, $0x1;
	_ =	strace $0x80000046;
	[dreg:$0x1] =	wrdreg $0xFFFFFFFF  }
0xa7: {  	s28 =	simm.s32 $_size_execute0_lowered;
	s2 =	sadd.s32 s2, s4;
	[dreg:$0x0] =	wrdreg $0x0  }
0xa8: {  	s4 =	sshll.u32 s28, $0x1;
	[dreg:$0x2] =	wrdreg s2  }
0xa9: {  	[dreg:$0x3] =	wrdreg s4  }
0xaa: {  	[dreg:$0x4] =	wrdreg $0xC0  }
0xab: {  	_ =	task [dreg:s6], $0x5FFFF  }
0xac: {  	[dreg:$0x1] =	wrdreg $0xFFFFFFFF  }
0xad: {  	[dreg:$0x0] =	wrdreg $0x60  }
0xae: {  	[dreg:$0x2] =	wrdreg s24  }
0xaf: {  	[dreg:$0x3] =	wrdreg $0x9  }
0xb0: {  	_ =	task.clear_ibuf [dreg:s6], $0x4FFFF;
	_ =	strace $0x90000046  }
0xb1: {  	s29 =	simm.s32 $0x9;
	_ =	strace $0x80000048  }
0xb2: {  	_ =	swait.ge [sflag:s29], $0x1  }
0xb3: {  	[sflag:s29] =	ssyncadd.s32 $0xFFFFFFFF  }
0xb4: {  	_ =	strace $0x90000048  }
0xb5: {  	_ =	sfence  }
0xb6: {  	s30 =	sld [smem:$0x0];
	_ =	sdelay $0x2  }
0xb7: {  	s31 =	sshll.u32 s1, $0xD;
	s1 =	sshrl.u32 s1, $0x2  }
0xb8: {  	s3 =	sand.u32 $0x4000, s31;
	s1 =	sadd.s32 s1, s30  }
0xb9: {  	s0 =	sor.u32 s3, s0;
	s1 =	sshll.u32 s1, $0x11  }
0xba: {  	s0 =	sor.u32 s1, s0  }
0xbb: {  	s0 =	sadd.s32 $0x8F2B, s0  }
0xbc: {  	[sflag:s0] =	ssyncadd.remote.s32 $0x1  }
0xbd: {  	_ =	sfence.sel $0xFFFF  }
0xbe: {  	[dreg:$0x0] =	wrdreg $0xFFFFFFFF;
	(pc) =	sbr.abs _section_cstart, $3  }
0xbf: {  	[dreg:$0x1] =	wrdreg $0xFFFFFFFF  }
0xc0: {  	_ =	task.clear_ibuf [dreg:s6], $0x2FFFF;
	_ =	strace $0x9FFFFFFF  }
0xc1: {  	(tm) =	ssettm $0x7FFFFFFF  }
tec
execute0_lowered:
.L_overlay_start_1:
0x0: {  	(tag) =	ssettag $0x1  }
0x1: {  	s0 =	srdreg.scid  }
0x2: {  	s3 =	sand.u32 $0x1, s0  }
0x3: {  	s4 =	rddreg [dreg:$0x0];
	s0 =	stileid.u32;
	s1 =	sshll.u32 s3, $0x4  }
0x4: {  	s2 =	simm.s32 $0x0;
	s7 =	simm.s32 $0x80;
	s1 =	sor.u32 s0, s1  }
0x5: {  	s8 =	simm.s32 $0x400;
	s9 =	simm.s32 $0x2800;
	s1 =	sshrl.u32 s1, $0x3  }
0x6: {  	s10 =	simm.s32 $0x1;
	s6 =	sshll.u32 s0, $0x7;
	s5 =	smul.u32 $0x14000, s1  }
0x7: {  	s11 =	simm.s32 $0x0;
	[smem:$0x7FF] =	sst s2;
	s6 =	sand.u32 $0x380, s6  }
0x8: {  	s30 =	ssub.s32 $0x2, s3;
	s3 =	sadd.s32 $0xB400, s4;
	s5 =	sor.u32 s6, s5  }
0x9: {  	s31 =	sshrl.u32 s30, $0x1;
	s1 =	rddreg [dreg:$0x1];
	s5 =	sshrl.u32 s5, $0x3  }
0xa: {  	_ =	strace $0x80000047;
	s6 =	ssub.s32 s30, s31;
	s5 =	sadd.s32 s5, s4  }
0xb: {  	v0 =	vimm.f32 $1.000000000e+00;
	s6 =	smax.u32 s6, $0x1;
	s4 =	sadd.s32 $0x1400, s5;
	s5 =	sadd.s32 $0xBA00, s5  }
.LBB2_1:
0xc: {  	[tilespmem:s9], [sflag:$0x1] =	stream.strided.gather [hbm4b:s4+s7], $0x2800, s8, s7, $0x38;
	[tilespmem:$0x5000] =	vst v63  }
0xd: {  	_ =	swait.ge [sflag:s10], $0x2800  }
0xe: {  	[sflag:s10] =	ssyncset.done $0x0  }
0xf: {  	[sflag:s10] =	ssyncadd.s32 $0xFFFFD800  }
0x10: {  	[tilespmem:s2], [sflag:$0x1] =	stream.linear.gather [hbm4b:s3+s2], $0x2800, $0x38;
	[tilespmem:$0x5000] =	vst v63  }
0x11: {  	_ =	swait.ge [sflag:s10], $0x2800  }
0x12: {  	[sflag:s10] =	ssyncset.done $0x0  }
0x13: {  	s12 =	simm.s32 $0x0;
	[sflag:s10] =	ssyncadd.s32 $0xFFFFD800  }
.LBB2_2:
0x14: {  	s13 =	sshra.s32 s12, $0x2  }
0x15: {  	v1 =	vld [tilespmem:s13+$0x2800];
	_ =	sdelay $0x7  }
0x16: {  	[tilespmem:v1+s2+$0x0] =	vst.idx.add.f32.msk $0xffff, v0  }
0x17: {  	v1 =	vld [tilespmem:s13+$0x2810];
	_ =	sdelay $0x7  }
0x18: {  	[tilespmem:v1+s2+$0x0] =	vst.idx.add.f32.msk $0xffff, v0  }
0x19: {  	v1 =	vld [tilespmem:s13+$0x2820];
	_ =	sdelay $0x7  }
0x1a: {  	[tilespmem:v1+s2+$0x0] =	vst.idx.add.f32.msk $0xffff, v0  }
0x1b: {  	v1 =	vld [tilespmem:s13+$0x2830];
	_ =	sdelay $0x2  }
0x1c: {  	p0 =	sne.s32 s12, $0x9F00  }
.Ltmp0:
0x1d: {  	_ = 	snop;
	(pc) =	sbr.rel @p0 .LBB2_2-.Ltmp0, $2  }
0x1e: {  	_ =	sdelay $0x2  }
0x1f: {  	s12 =	sadd.s32 $0x100, s12;
	[tilespmem:v1+s2+$0x0] =	vst.idx.add.f32.msk $0xffff, v0  }
0x20: {  	s11 =	sadd.s32 $0x1, s11  }
0x21: {  	p0 =	sne.s32 s11, s6  }
.Ltmp1:
0x22: {  	_ = 	snop;
	(pc) =	sbr.rel @p0 .LBB2_1-.Ltmp1, $4  }
0x23: {  	[hbm4b:s5+s7] =	stream.strided.scatter [tilespmem:s2], [sflag:$0x1], $0x2800, s8, s7, $0x38;
	[tilespmem:$0x5000] =	vst v63  }
0x24: {  	_ =	swait.ge [sflag:s10], $0x2800  }
0x25: {  	[sflag:s10] =	ssyncset.done $0x0  }
0x26: {  	[sflag:s10] =	ssyncadd.s32 $0xFFFFD800  }
0x27: {  	_ =	sfence.sel $0x180000  }
0x28: {  	[bflag:$0x0] =	sbarrier.arrive $0xFFFF  }
0x29: {  	p0 =	sne.s32 s0, $0x0;
	_ =	strace $0x90000047  }
0x2a: {  	s0 =	sadd.s32 @!p0 $0x100000, s1;
	[bflag:$0x2] =	sbarrier.arrive $0xFFFF  }
0x2b: {  	[sflag:s0] =	ssyncadd.tile.s32 @!p0 $0x1;
	_ =	shalt  }
.Lfunc_end2:
_tile_overlayer_lowered:
.L_overlay_start_2:
0x2c: {  	(tag) =	ssettag $0x2  }
0x2d: {  	s0 =	rddreg [dreg:$0x0];
	s2 =	stileid.u32  }
0x2e: {  	s1 =	rddreg [dreg:$0x1];
	p0 =	sne.s32 s2, $0x0  }
0x2f: {  	s3 =	rddreg [dreg:$0x2];
	[bflag:$0x3] =	sbarrier.arrive $0xFFFF;
	s2 =	simm.s32 @!p0 $0x1C01  }
0x30: {  	[timem:s3], [sflag:s2] =	dma.local @!p0 [hbm:s0], s1  }
0x31: {  	s0 =	simm.s32 @!p0 $0x1  }
0x32: {  	_ =	swait.ge @!p0 [sflag:s0], s1  }
0x33: {  	s1 =	ssub.s32 @!p0 $0x0, s1;
	[sflag:s0] =	ssyncset.done @!p0 $0x0  }
0x34: {  	[sflag:s0] =	ssyncadd.s32 @!p0 s1  }
0x35: {  	[bflag:$0x3] =	sbarrier.arrive $0xFFFF  }
0x36: {  	_ =	shalt  }

</sc_bundles>
